<compile_context>
chip_gen: v7x
topology: tpu7x:2x2x1
jax: 0.10.2.dev20260603
libtpu: 0.0.44.dev20260713+nightly
codegen_flags: <defaults>
</compile_context>

<pallas_src>
import functools

import jax
import jax.numpy as jnp
from jax import lax
from jax.experimental import pallas as pl
from jax.experimental.pallas import tpu as pltpu
from jax.experimental.pallas import tpu_sc as plsc


def _top2(probs, tile, ne):
    eidx = jax.lax.broadcasted_iota(jnp.int32, (tile, ne), 1)
    p0 = jnp.max(probs, axis=-1, keepdims=True)
    e0 = jnp.min(jnp.where(probs == p0, eidx, ne), axis=-1, keepdims=True)
    masked = jnp.where(eidx == e0, -jnp.inf, probs)
    p1 = jnp.max(masked, axis=-1, keepdims=True)
    e1 = jnp.min(jnp.where(masked == p1, eidx, ne), axis=-1, keepdims=True)
    return p0, e0, p1, e1


def _tc_router(x_ref, w1_ref, b1_ref, w2_ref, b2_ref,
               disp_ref, comb_ref, probs_ref, aux_ref, tbl_ref, c0f_ref,
               c0_s, sums_s, *, tile, tiles, ne, cap, ntok):
    t = pl.program_id(0)
    eidx = jax.lax.broadcasted_iota(jnp.int32, (tile, ne), 1)

    disp_ref[...] = jnp.zeros((tile * ne * cap,), jnp.float32)
    comb_ref[...] = jnp.zeros((tile * ne * cap,), jnp.float32)

    x = x_ref[...]
    h = jnp.maximum(
        jnp.dot(x, w1_ref[...], preferred_element_type=jnp.float32)
        + b1_ref[...], 0.0)
    logits = (jnp.dot(h, w2_ref[...], preferred_element_type=jnp.float32)
              + b2_ref[...])
    m = jnp.max(logits, axis=-1, keepdims=True)
    ex = jnp.exp(logits - m)
    probs = ex / jnp.sum(ex, axis=-1, keepdims=True)
    probs_ref[...] = probs

    p0, e0, p1, e1 = _top2(probs, tile, ne)
    s = p0 + p1
    p0n = p0 / s
    p1n = p1 / s
    tbl_ref[...] = jnp.concatenate(
        [jnp.reshape(e0.astype(jnp.float32), (1, tile)),
         jnp.reshape(e1.astype(jnp.float32), (1, tile)),
         jnp.reshape(p0n, (1, tile)),
         jnp.reshape(p1n, (1, tile)),
         jnp.zeros((4, tile), jnp.float32)], axis=0)

    flags = jnp.max((eidx == e0).astype(jnp.float32), axis=0, keepdims=True)
    psum = jnp.sum(probs, axis=0, keepdims=True)
    first = t == 0
    c0 = jnp.where(first, flags, jnp.maximum(c0_s[...], flags))
    c0_s[...] = c0
    sums_s[...] = jnp.where(first, psum, sums_s[...] + psum)

    @pl.when(t == tiles - 1)
    def _tail():
        mean = sums_s[...] * (1.0 / ntok)
        aux_ref[...] = jnp.sum(mean * jnp.log(mean * ne + 1e-09),
                               axis=-1, keepdims=True)
        c0f_ref[...] = jnp.concatenate(
            [c0, jnp.zeros((1, 16 - ne), jnp.float32)], axis=1)


def _make_sc_scatter(ntok, ne, cap):
    info = plsc.get_sparse_core_info()
    nw = info.num_cores * info.num_subcores
    nc = info.num_cores
    bpw = ntok // nw
    mesh = plsc.VectorSubcoreMesh(core_axis_name="c", subcore_axis_name="s")

    @functools.partial(
        pl.kernel, mesh=mesh, out_type=(),
        compiler_params=pltpu.CompilerParams(needs_layout_passes=False),
        scratch_types=[
            pltpu.VMEM((bpw,), jnp.float32),
            pltpu.VMEM((bpw,), jnp.float32),
            pltpu.VMEM((bpw,), jnp.float32),
            pltpu.VMEM((bpw,), jnp.float32),
            pltpu.VMEM((16,), jnp.float32),
            pltpu.VMEM((2 * bpw,), jnp.int32),
            pltpu.VMEM((2 * bpw,), jnp.float32),
            pltpu.VMEM((2 * bpw,), jnp.float32),
            pltpu.SemaphoreType.DMA,
            pltpu.SemaphoreType.DMA,
        ],
    )
    def _sc_scatter(tbl_hbm, c0_hbm, disp_ref, comb_ref,
                    e0_v, e1_v, p0_v, p1_v, c0_v, idx_v, vd_v, vc_v,
                    semd, semc):
        wid = lax.axis_index("s") * nc + lax.axis_index("c")
        base = wid * bpw
        pltpu.sync_copy(tbl_hbm.at[0, pl.ds(base, bpw)], e0_v)
        pltpu.sync_copy(tbl_hbm.at[1, pl.ds(base, bpw)], e1_v)
        pltpu.sync_copy(tbl_hbm.at[2, pl.ds(base, bpw)], p0_v)
        pltpu.sync_copy(tbl_hbm.at[3, pl.ds(base, bpw)], p1_v)
        pltpu.sync_copy(c0_hbm, c0_v)
        lanes = lax.iota(jnp.int32, 16)
        c0vec = c0_v[...]
        c0e = [jnp.sum(jnp.where(lanes == e, c0vec, 0.0)) for e in range(ne)]
        for k in range(bpw // 16):
            sl = pl.ds(k * 16, 16)
            sl2 = pl.ds(bpw + k * 16, 16)
            e0 = e0_v[sl].astype(jnp.int32)
            e1i = e1_v[sl]
            e1 = e1i.astype(jnp.int32)
            p0 = p0_v[sl]
            p1 = p1_v[sl]
            slot1f = jnp.zeros((16,), jnp.float32)
            for e in range(ne):
                slot1f = slot1f + jnp.where(e1i == float(e), c0e[e], 0.0)
            slot1 = slot1f.astype(jnp.int32)
            nbase = (lanes + (base + k * 16)) * (ne * cap)
            idx_v[sl] = nbase + e0 * cap
            idx_v[sl2] = nbase + e1 * cap + slot1
            ones = jnp.full((16,), 1.0, jnp.float32)
            vd_v[sl] = ones
            vd_v[sl2] = ones
            vc_v[sl] = p0
            vc_v[sl2] = p1
        d = pltpu.async_copy(vd_v, disp_ref.at[idx_v], semd)
        c = pltpu.async_copy(vc_v, comb_ref.at[idx_v], semc)
        d.wait()
        c.wait()

    return _sc_scatter


def kernel(hidden_states, W1, b1, W2, b2):
    bb, ss, hh = hidden_states.shape
    ne = W2.shape[1]
    ntok = bb * ss
    cap = int(bb * ss * 1.5 * 2 / ne)
    x = hidden_states.reshape(ntok, hh)
    b1r = b1.reshape(1, hh)
    b2r = b2.reshape(1, ne)
    tile = 256
    tiles = ntok // tile

    body = functools.partial(_tc_router, tile=tile, tiles=tiles,
                             ne=ne, cap=cap, ntok=ntok)

    disp_z, comb_z, probs, aux, tbl, c0f = pl.pallas_call(
        body,
        grid=(tiles,),
        in_specs=[
            pl.BlockSpec((tile, hh), lambda t: (t, 0)),
            pl.BlockSpec((hh, hh), lambda t: (0, 0)),
            pl.BlockSpec((1, hh), lambda t: (0, 0)),
            pl.BlockSpec((hh, ne), lambda t: (0, 0)),
            pl.BlockSpec((1, ne), lambda t: (0, 0)),
        ],
        out_specs=[
            pl.BlockSpec((tile * ne * cap,), lambda t: (t,)),
            pl.BlockSpec((tile * ne * cap,), lambda t: (t,)),
            pl.BlockSpec((tile, ne), lambda t: (t, 0)),
            pl.BlockSpec((1, 1), lambda t: (0, 0)),
            pl.BlockSpec((8, tile), lambda t: (0, t)),
            pl.BlockSpec((1, 16), lambda t: (0, 0)),
        ],
        out_shape=[
            jax.ShapeDtypeStruct((ntok * ne * cap,), jnp.float32),
            jax.ShapeDtypeStruct((ntok * ne * cap,), jnp.float32),
            jax.ShapeDtypeStruct((ntok, ne), jnp.float32),
            jax.ShapeDtypeStruct((1, 1), jnp.float32),
            jax.ShapeDtypeStruct((8, ntok), jnp.float32),
            jax.ShapeDtypeStruct((1, 16), jnp.float32),
        ],
        scratch_shapes=[
            pltpu.VMEM((1, ne), jnp.float32),
            pltpu.VMEM((1, ne), jnp.float32),
        ],
        compiler_params=pltpu.CompilerParams(
            dimension_semantics=("arbitrary",)),
    )(x, W1, b1r, W2, b2r)

    sc_scatter = _make_sc_scatter(ntok, ne, cap)
    dref = jax.new_ref(disp_z)
    cref = jax.new_ref(comb_z)
    sc_scatter(tbl, c0f.reshape(16), dref, cref)
    disp = dref[...].reshape(bb, ss, ne, cap)
    comb = cref[...].reshape(bb, ss, ne, cap)

    return (disp, comb, probs.reshape(bb, ss, ne), aux.reshape(()))

# --- scband reference (transcript-rebuilt; emitter-appended) ---
"""Pipeline reference for scband-pi-kvrouter-3435973837298 (READ-ONLY COPY).

The authoritative reference and input builder live on the scoring server;
editing this copy changes nothing except your own understanding.
"""

import jax, jax.numpy as jnp
import numpy as np

B, S, H, E, TOPK = 1, 2048, 1024, 8, 2
CAP_F = 1.5


def setup_inputs(seed: int = 0) -> dict:
    key = jax.random.key(seed)
    ks = jax.random.split(key, 5)
    hidden_states = jax.random.normal(ks[0], (B, S, H), dtype=jnp.float32)
    W1 = jax.random.normal(ks[1], (H, H), dtype=jnp.float32) * (1.0 / np.sqrt(H))
    b1 = jnp.zeros((H,), dtype=jnp.float32)
    W2 = jax.random.normal(ks[2], (H, E), dtype=jnp.float32) * (1.0 / np.sqrt(H))
    b2 = jnp.zeros((E,), dtype=jnp.float32)
    return {"hidden_states": hidden_states, "W1": W1, "b1": b1, "W2": W2, "b2": b2}


def reference(hidden_states, W1, b1, W2, b2):
    Bb, Ss, Hh = hidden_states.shape
    # router MLP: Linear -> ReLU -> Linear
    h = jnp.maximum(hidden_states @ W1 + b1, 0.0)
    router_logits = h @ W2 + b2
    router_probs = jax.nn.softmax(router_logits, axis=-1)
    top_k_probs, top_k_indices = jax.lax.top_k(router_probs, TOPK)
    top_k_probs = top_k_probs / jnp.sum(top_k_probs, axis=-1, keepdims=True)
    capacity = int(Bb * Ss * CAP_F * TOPK / E)
    N = Bb * Ss
    tki = top_k_indices.reshape(N, TOPK)
    tkp = top_k_probs.reshape(N, TOPK)
    dispatch = jnp.zeros((N, E, capacity), dtype=jnp.float32)
    combine = jnp.zeros((N, E, capacity), dtype=jnp.float32)
    expert_count = jnp.zeros((E,), dtype=jnp.int32)
    pos = jnp.arange(N)
    for i in range(TOPK):
        eidx = tki[:, i]
        prob = tkp[:, i]
        tpos = expert_count[eidx]
        mask = tpos < capacity
        safe = jnp.minimum(tpos, capacity - 1)
        dispatch = dispatch.at[pos, eidx, safe].add(jnp.where(mask, 1.0, 0.0))
        combine = combine.at[pos, eidx, safe].add(jnp.where(mask, prob, 0.0))
        # torch `expert_count[idx] += 1` with duplicate idx increments once; emulate via max-set
        expert_count = expert_count.at[eidx].max(tpos + mask.astype(jnp.int32))
    dispatch = dispatch.reshape(Bb, Ss, E, capacity)
    combine = combine.reshape(Bb, Ss, E, capacity)
    router_prob_per_expert = router_probs.mean(axis=(0, 1))
    aux_loss = jnp.sum(router_prob_per_expert * jnp.log(router_prob_per_expert * E + 1e-09))
    return dispatch, combine, router_probs, aux_loss

if __name__ == "__main__":
    import jax
    _d = setup_inputs()
    print(jax.jit(kernel)(*tuple(_d.values())))

</pallas_src>

<mosaic_0001>
#map = affine_map<(d0, d1) -> (0, 0)>
#map1 = affine_map<(d0, d1) -> (0)>
module attributes {stable_mosaic.version = 14 : i64} {
  func.func @new_body(%arg0: i32, %arg1: i32, %arg2: memref<8x2048xf32, #tpu.memory_space<hbm>>, %arg3: memref<16xf32, #tpu.memory_space<hbm>>, %arg4: memref<12582912xf32, #tpu.memory_space<hbm>>, %arg5: memref<12582912xf32, #tpu.memory_space<hbm>>, %arg6: memref<12582912xf32, #tpu.memory_space<hbm>>, %arg7: memref<12582912xf32, #tpu.memory_space<hbm>>, %arg8: memref<64xf32, #tpu.memory_space<vmem>>, %arg9: memref<64xf32, #tpu.memory_space<vmem>>, %arg10: memref<64xf32, #tpu.memory_space<vmem>>, %arg11: memref<64xf32, #tpu.memory_space<vmem>>, %arg12: memref<16xf32, #tpu.memory_space<vmem>>, %arg13: memref<128xi32, #tpu.memory_space<vmem>>, %arg14: memref<128xf32, #tpu.memory_space<vmem>>, %arg15: memref<128xf32, #tpu.memory_space<vmem>>, %arg16: memref<!tpu.dma_semaphore, #tpu.memory_space<semaphore_mem>>, %arg17: memref<!tpu.dma_semaphore, #tpu.memory_space<semaphore_mem>>) attributes {dimension_semantics = [#tpu.dimension_semantics<core_parallel>, #tpu.dimension_semantics<subcore_parallel>], iteration_bounds = array<i64: 2, 16>, scalar_prefetch = 0 : i64, scratch_operands = 10 : i64, tpu.core_type = #tpu.core_type<sc_vector_subcore>, window_params = [{transform_indices = #map}, {transform_indices = #map1}, {transform_indices = #map1}, {transform_indices = #map1}, {transform_indices = #map1}, {transform_indices = #map1}]} {
    %mul3A = arith.constant 2 : i32
    %mul3A_0 = arith.muli %arg1, %mul3A : i32
    %add3A = arith.addi %mul3A_0, %arg0 : i32
    %mul3A_1 = arith.constant 64 : i32
    %mul3A_2 = arith.muli %add3A, %mul3A_1 : i32
    %run_scoped3A = arith.constant 0 : i32
    "tpu.region"() ({
      %run_scoped3A_514 = tpu.sem_alloc : memref<!tpu.dma_semaphore, #tpu.memory_space<semaphore_mem>>
      %dma_start3A_515 = tpu.memref_slice %arg2[%run_scoped3A, %mul3A_2] : memref<8x2048xf32, #tpu.memory_space<hbm>> -> memref<1x64xf32, #tpu.memory_space<hbm>>
      %dma_start3A_516 = tpu.memref_squeeze %dma_start3A_515 : memref<1x64xf32, #tpu.memory_space<hbm>> -> memref<64xf32, #tpu.memory_space<hbm>>
      %dma_start3A_517 = tpu.memref_slice %arg2[%run_scoped3A, %mul3A_2] : memref<8x2048xf32, #tpu.memory_space<hbm>> -> memref<1x64xf32, #tpu.memory_space<hbm>>
      %dma_start3A_518 = tpu.memref_squeeze %dma_start3A_517 : memref<1x64xf32, #tpu.memory_space<hbm>> -> memref<64xf32, #tpu.memory_space<hbm>>
      tpu.enqueue_dma source(%dma_start3A_518 : memref<64xf32, #tpu.memory_space<hbm>>) target(%arg8 : memref<64xf32, #tpu.memory_space<vmem>>) target_semaphore(%run_scoped3A_514 : memref<!tpu.dma_semaphore, #tpu.memory_space<semaphore_mem>>)
      %dma_wait3A_519 = tpu.memref_slice %arg2[%run_scoped3A, %mul3A_2] : memref<8x2048xf32, #tpu.memory_space<hbm>> -> memref<1x64xf32, #tpu.memory_space<hbm>>
      %dma_wait3A_520 = tpu.memref_squeeze %dma_wait3A_519 : memref<1x64xf32, #tpu.memory_space<hbm>> -> memref<64xf32, #tpu.memory_space<hbm>>
      %dma_wait3A_521 = tpu.memref_slice %arg2[%run_scoped3A, %mul3A_2] : memref<8x2048xf32, #tpu.memory_space<hbm>> -> memref<1x64xf32, #tpu.memory_space<hbm>>
      %dma_wait3A_522 = tpu.memref_squeeze %dma_wait3A_521 : memref<1x64xf32, #tpu.memory_space<hbm>> -> memref<64xf32, #tpu.memory_space<hbm>>
      tpu.wait_dma2 semaphore(%run_scoped3A_514 : memref<!tpu.dma_semaphore, #tpu.memory_space<semaphore_mem>>) src(%dma_wait3A_522 : memref<64xf32, #tpu.memory_space<hbm>>) dst(%arg8 : memref<64xf32, #tpu.memory_space<vmem>>)
      tpu.yield
    }) : () -> ()
    %run_scoped3A_3 = arith.constant 1 : i32
    "tpu.region"() ({
      %run_scoped3A_514 = tpu.sem_alloc : memref<!tpu.dma_semaphore, #tpu.memory_space<semaphore_mem>>
      %dma_start3A_515 = tpu.memref_slice %arg2[%run_scoped3A_3, %mul3A_2] : memref<8x2048xf32, #tpu.memory_space<hbm>> -> memref<1x64xf32, #tpu.memory_space<hbm>>
      %dma_start3A_516 = tpu.memref_squeeze %dma_start3A_515 : memref<1x64xf32, #tpu.memory_space<hbm>> -> memref<64xf32, #tpu.memory_space<hbm>>
      %dma_start3A_517 = tpu.memref_slice %arg2[%run_scoped3A_3, %mul3A_2] : memref<8x2048xf32, #tpu.memory_space<hbm>> -> memref<1x64xf32, #tpu.memory_space<hbm>>
      %dma_start3A_518 = tpu.memref_squeeze %dma_start3A_517 : memref<1x64xf32, #tpu.memory_space<hbm>> -> memref<64xf32, #tpu.memory_space<hbm>>
      tpu.enqueue_dma source(%dma_start3A_518 : memref<64xf32, #tpu.memory_space<hbm>>) target(%arg9 : memref<64xf32, #tpu.memory_space<vmem>>) target_semaphore(%run_scoped3A_514 : memref<!tpu.dma_semaphore, #tpu.memory_space<semaphore_mem>>)
      %dma_wait3A_519 = tpu.memref_slice %arg2[%run_scoped3A_3, %mul3A_2] : memref<8x2048xf32, #tpu.memory_space<hbm>> -> memref<1x64xf32, #tpu.memory_space<hbm>>
      %dma_wait3A_520 = tpu.memref_squeeze %dma_wait3A_519 : memref<1x64xf32, #tpu.memory_space<hbm>> -> memref<64xf32, #tpu.memory_space<hbm>>
      %dma_wait3A_521 = tpu.memref_slice %arg2[%run_scoped3A_3, %mul3A_2] : memref<8x2048xf32, #tpu.memory_space<hbm>> -> memref<1x64xf32, #tpu.memory_space<hbm>>
      %dma_wait3A_522 = tpu.memref_squeeze %dma_wait3A_521 : memref<1x64xf32, #tpu.memory_space<hbm>> -> memref<64xf32, #tpu.memory_space<hbm>>
      tpu.wait_dma2 semaphore(%run_scoped3A_514 : memref<!tpu.dma_semaphore, #tpu.memory_space<semaphore_mem>>) src(%dma_wait3A_522 : memref<64xf32, #tpu.memory_space<hbm>>) dst(%arg9 : memref<64xf32, #tpu.memory_space<vmem>>)
      tpu.yield
    }) : () -> ()
    %run_scoped3A_4 = arith.constant 2 : i32
    "tpu.region"() ({
      %run_scoped3A_514 = tpu.sem_alloc : memref<!tpu.dma_semaphore, #tpu.memory_space<semaphore_mem>>
      %dma_start3A_515 = tpu.memref_slice %arg2[%run_scoped3A_4, %mul3A_2] : memref<8x2048xf32, #tpu.memory_space<hbm>> -> memref<1x64xf32, #tpu.memory_space<hbm>>
      %dma_start3A_516 = tpu.memref_squeeze %dma_start3A_515 : memref<1x64xf32, #tpu.memory_space<hbm>> -> memref<64xf32, #tpu.memory_space<hbm>>
      %dma_start3A_517 = tpu.memref_slice %arg2[%run_scoped3A_4, %mul3A_2] : memref<8x2048xf32, #tpu.memory_space<hbm>> -> memref<1x64xf32, #tpu.memory_space<hbm>>
      %dma_start3A_518 = tpu.memref_squeeze %dma_start3A_517 : memref<1x64xf32, #tpu.memory_space<hbm>> -> memref<64xf32, #tpu.memory_space<hbm>>
      tpu.enqueue_dma source(%dma_start3A_518 : memref<64xf32, #tpu.memory_space<hbm>>) target(%arg10 : memref<64xf32, #tpu.memory_space<vmem>>) target_semaphore(%run_scoped3A_514 : memref<!tpu.dma_semaphore, #tpu.memory_space<semaphore_mem>>)
      %dma_wait3A_519 = tpu.memref_slice %arg2[%run_scoped3A_4, %mul3A_2] : memref<8x2048xf32, #tpu.memory_space<hbm>> -> memref<1x64xf32, #tpu.memory_space<hbm>>
      %dma_wait3A_520 = tpu.memref_squeeze %dma_wait3A_519 : memref<1x64xf32, #tpu.memory_space<hbm>> -> memref<64xf32, #tpu.memory_space<hbm>>
      %dma_wait3A_521 = tpu.memref_slice %arg2[%run_scoped3A_4, %mul3A_2] : memref<8x2048xf32, #tpu.memory_space<hbm>> -> memref<1x64xf32, #tpu.memory_space<hbm>>
      %dma_wait3A_522 = tpu.memref_squeeze %dma_wait3A_521 : memref<1x64xf32, #tpu.memory_space<hbm>> -> memref<64xf32, #tpu.memory_space<hbm>>
      tpu.wait_dma2 semaphore(%run_scoped3A_514 : memref<!tpu.dma_semaphore, #tpu.memory_space<semaphore_mem>>) src(%dma_wait3A_522 : memref<64xf32, #tpu.memory_space<hbm>>) dst(%arg10 : memref<64xf32, #tpu.memory_space<vmem>>)
      tpu.yield
    }) : () -> ()
    %run_scoped3A_5 = arith.constant 3 : i32
    "tpu.region"() ({
      %run_scoped3A_514 = tpu.sem_alloc : memref<!tpu.dma_semaphore, #tpu.memory_space<semaphore_mem>>
      %dma_start3A_515 = tpu.memref_slice %arg2[%run_scoped3A_5, %mul3A_2] : memref<8x2048xf32, #tpu.memory_space<hbm>> -> memref<1x64xf32, #tpu.memory_space<hbm>>
      %dma_start3A_516 = tpu.memref_squeeze %dma_start3A_515 : memref<1x64xf32, #tpu.memory_space<hbm>> -> memref<64xf32, #tpu.memory_space<hbm>>
      %dma_start3A_517 = tpu.memref_slice %arg2[%run_scoped3A_5, %mul3A_2] : memref<8x2048xf32, #tpu.memory_space<hbm>> -> memref<1x64xf32, #tpu.memory_space<hbm>>
      %dma_start3A_518 = tpu.memref_squeeze %dma_start3A_517 : memref<1x64xf32, #tpu.memory_space<hbm>> -> memref<64xf32, #tpu.memory_space<hbm>>
      tpu.enqueue_dma source(%dma_start3A_518 : memref<64xf32, #tpu.memory_space<hbm>>) target(%arg11 : memref<64xf32, #tpu.memory_space<vmem>>) target_semaphore(%run_scoped3A_514 : memref<!tpu.dma_semaphore, #tpu.memory_space<semaphore_mem>>)
      %dma_wait3A_519 = tpu.memref_slice %arg2[%run_scoped3A_5, %mul3A_2] : memref<8x2048xf32, #tpu.memory_space<hbm>> -> memref<1x64xf32, #tpu.memory_space<hbm>>
      %dma_wait3A_520 = tpu.memref_squeeze %dma_wait3A_519 : memref<1x64xf32, #tpu.memory_space<hbm>> -> memref<64xf32, #tpu.memory_space<hbm>>
      %dma_wait3A_521 = tpu.memref_slice %arg2[%run_scoped3A_5, %mul3A_2] : memref<8x2048xf32, #tpu.memory_space<hbm>> -> memref<1x64xf32, #tpu.memory_space<hbm>>
      %dma_wait3A_522 = tpu.memref_squeeze %dma_wait3A_521 : memref<1x64xf32, #tpu.memory_space<hbm>> -> memref<64xf32, #tpu.memory_space<hbm>>
      tpu.wait_dma2 semaphore(%run_scoped3A_514 : memref<!tpu.dma_semaphore, #tpu.memory_space<semaphore_mem>>) src(%dma_wait3A_522 : memref<64xf32, #tpu.memory_space<hbm>>) dst(%arg11 : memref<64xf32, #tpu.memory_space<vmem>>)
      tpu.yield
    }) : () -> ()
    "tpu.region"() ({
      %run_scoped3A_514 = tpu.sem_alloc : memref<!tpu.dma_semaphore, #tpu.memory_space<semaphore_mem>>
      tpu.enqueue_dma source(%arg3 : memref<16xf32, #tpu.memory_space<hbm>>) target(%arg12 : memref<16xf32, #tpu.memory_space<vmem>>) target_semaphore(%run_scoped3A_514 : memref<!tpu.dma_semaphore, #tpu.memory_space<semaphore_mem>>)
      tpu.wait_dma2 semaphore(%run_scoped3A_514 : memref<!tpu.dma_semaphore, #tpu.memory_space<semaphore_mem>>) src(%arg3 : memref<16xf32, #tpu.memory_space<hbm>>) dst(%arg12 : memref<16xf32, #tpu.memory_space<vmem>>)
      tpu.yield
    }) : () -> ()
    %iota3A = tpu.iota {dimensions = array<i32: 0>} : vector<16xi32>
    %get3A = arith.constant 0 : index
    %get3A_6 = tpu.vector_load %arg12[%get3A] {strides = array<i32>} : memref<16xf32, #tpu.memory_space<vmem>>, vector<16xf32>,
    %eq3A = arith.constant 0 : i32
    %eq3A_7 = vector.broadcast %eq3A : i32 to vector<16xi32>
    %eq3A_8 = arith.cmpi eq, %iota3A, %eq3A_7 : vector<16xi32>
    %jit3A = arith.constant 0.000000e+00 : f32
    %broadcast_in_dim3A = vector.broadcast %jit3A : f32 to vector<16xf32>
    %select_n3A = arith.select %eq3A_8, %get3A_6, %broadcast_in_dim3A : vector<16xi1>, vector<16xf32>
    %reduce_sum3A = arith.constant true
    %reduce_sum3A_9 = vector.broadcast %reduce_sum3A : i1 to vector<16xi1>
    %reduce_sum3A_10 = tpu.scan <sum>, %select_n3A masked %reduce_sum3A_9 : vector<16xf32>, vector<16xi1> -> vector<16xf32>
    %reduce_sum3A_11 = vector.extract %reduce_sum3A_10[15] : f32 from vector<16xf32>
    %eq3A_12 = arith.constant 1 : i32
    %eq3A_13 = vector.broadcast %eq3A_12 : i32 to vector<16xi32>
    %eq3A_14 = arith.cmpi eq, %iota3A, %eq3A_13 : vector<16xi32>
    %jit3A_15 = arith.constant 0.000000e+00 : f32
    %broadcast_in_dim3A_16 = vector.broadcast %jit3A_15 : f32 to vector<16xf32>
    %select_n3A_17 = arith.select %eq3A_14, %get3A_6, %broadcast_in_dim3A_16 : vector<16xi1>, vector<16xf32>
    %reduce_sum3A_18 = arith.constant true
    %reduce_sum3A_19 = vector.broadcast %reduce_sum3A_18 : i1 to vector<16xi1>
    %reduce_sum3A_20 = tpu.scan <sum>, %select_n3A_17 masked %reduce_sum3A_19 : vector<16xf32>, vector<16xi1> -> vector<16xf32>
    %reduce_sum3A_21 = vector.extract %reduce_sum3A_20[15] : f32 from vector<16xf32>
    %eq3A_22 = arith.constant 2 : i32
    %eq3A_23 = vector.broadcast %eq3A_22 : i32 to vector<16xi32>
    %eq3A_24 = arith.cmpi eq, %iota3A, %eq3A_23 : vector<16xi32>
    %jit3A_25 = arith.constant 0.000000e+00 : f32
    %broadcast_in_dim3A_26 = vector.broadcast %jit3A_25 : f32 to vector<16xf32>
    %select_n3A_27 = arith.select %eq3A_24, %get3A_6, %broadcast_in_dim3A_26 : vector<16xi1>, vector<16xf32>
    %reduce_sum3A_28 = arith.constant true
    %reduce_sum3A_29 = vector.broadcast %reduce_sum3A_28 : i1 to vector<16xi1>
    %reduce_sum3A_30 = tpu.scan <sum>, %select_n3A_27 masked %reduce_sum3A_29 : vector<16xf32>, vector<16xi1> -> vector<16xf32>
    %reduce_sum3A_31 = vector.extract %reduce_sum3A_30[15] : f32 from vector<16xf32>
    %eq3A_32 = arith.constant 3 : i32
    %eq3A_33 = vector.broadcast %eq3A_32 : i32 to vector<16xi32>
    %eq3A_34 = arith.cmpi eq, %iota3A, %eq3A_33 : vector<16xi32>
    %jit3A_35 = arith.constant 0.000000e+00 : f32
    %broadcast_in_dim3A_36 = vector.broadcast %jit3A_35 : f32 to vector<16xf32>
    %select_n3A_37 = arith.select %eq3A_34, %get3A_6, %broadcast_in_dim3A_36 : vector<16xi1>, vector<16xf32>
    %reduce_sum3A_38 = arith.constant true
    %reduce_sum3A_39 = vector.broadcast %reduce_sum3A_38 : i1 to vector<16xi1>
    %reduce_sum3A_40 = tpu.scan <sum>, %select_n3A_37 masked %reduce_sum3A_39 : vector<16xf32>, vector<16xi1> -> vector<16xf32>
    %reduce_sum3A_41 = vector.extract %reduce_sum3A_40[15] : f32 from vector<16xf32>
    %eq3A_42 = arith.constant 4 : i32
    %eq3A_43 = vector.broadcast %eq3A_42 : i32 to vector<16xi32>
    %eq3A_44 = arith.cmpi eq, %iota3A, %eq3A_43 : vector<16xi32>
    %jit3A_45 = arith.constant 0.000000e+00 : f32
    %broadcast_in_dim3A_46 = vector.broadcast %jit3A_45 : f32 to vector<16xf32>
    %select_n3A_47 = arith.select %eq3A_44, %get3A_6, %broadcast_in_dim3A_46 : vector<16xi1>, vector<16xf32>
    %reduce_sum3A_48 = arith.constant true
    %reduce_sum3A_49 = vector.broadcast %reduce_sum3A_48 : i1 to vector<16xi1>
    %reduce_sum3A_50 = tpu.scan <sum>, %select_n3A_47 masked %reduce_sum3A_49 : vector<16xf32>, vector<16xi1> -> vector<16xf32>
    %reduce_sum3A_51 = vector.extract %reduce_sum3A_50[15] : f32 from vector<16xf32>
    %eq3A_52 = arith.constant 5 : i32
    %eq3A_53 = vector.broadcast %eq3A_52 : i32 to vector<16xi32>
    %eq3A_54 = arith.cmpi eq, %iota3A, %eq3A_53 : vector<16xi32>
    %jit3A_55 = arith.constant 0.000000e+00 : f32
    %broadcast_in_dim3A_56 = vector.broadcast %jit3A_55 : f32 to vector<16xf32>
    %select_n3A_57 = arith.select %eq3A_54, %get3A_6, %broadcast_in_dim3A_56 : vector<16xi1>, vector<16xf32>
    %reduce_sum3A_58 = arith.constant true
    %reduce_sum3A_59 = vector.broadcast %reduce_sum3A_58 : i1 to vector<16xi1>
    %reduce_sum3A_60 = tpu.scan <sum>, %select_n3A_57 masked %reduce_sum3A_59 : vector<16xf32>, vector<16xi1> -> vector<16xf32>
    %reduce_sum3A_61 = vector.extract %reduce_sum3A_60[15] : f32 from vector<16xf32>
    %eq3A_62 = arith.constant 6 : i32
    %eq3A_63 = vector.broadcast %eq3A_62 : i32 to vector<16xi32>
    %eq3A_64 = arith.cmpi eq, %iota3A, %eq3A_63 : vector<16xi32>
    %jit3A_65 = arith.constant 0.000000e+00 : f32
    %broadcast_in_dim3A_66 = vector.broadcast %jit3A_65 : f32 to vector<16xf32>
    %select_n3A_67 = arith.select %eq3A_64, %get3A_6, %broadcast_in_dim3A_66 : vector<16xi1>, vector<16xf32>
    %reduce_sum3A_68 = arith.constant true
    %reduce_sum3A_69 = vector.broadcast %reduce_sum3A_68 : i1 to vector<16xi1>
    %reduce_sum3A_70 = tpu.scan <sum>, %select_n3A_67 masked %reduce_sum3A_69 : vector<16xf32>, vector<16xi1> -> vector<16xf32>
    %reduce_sum3A_71 = vector.extract %reduce_sum3A_70[15] : f32 from vector<16xf32>
    %eq3A_72 = arith.constant 7 : i32
    %eq3A_73 = vector.broadcast %eq3A_72 : i32 to vector<16xi32>
    %eq3A_74 = arith.cmpi eq, %iota3A, %eq3A_73 : vector<16xi32>
    %jit3A_75 = arith.constant 0.000000e+00 : f32
    %broadcast_in_dim3A_76 = vector.broadcast %jit3A_75 : f32 to vector<16xf32>
    %select_n3A_77 = arith.select %eq3A_74, %get3A_6, %broadcast_in_dim3A_76 : vector<16xi1>, vector<16xf32>
    %reduce_sum3A_78 = arith.constant true
    %reduce_sum3A_79 = vector.broadcast %reduce_sum3A_78 : i1 to vector<16xi1>
    %reduce_sum3A_80 = tpu.scan <sum>, %select_n3A_77 masked %reduce_sum3A_79 : vector<16xf32>, vector<16xi1> -> vector<16xf32>
    %reduce_sum3A_81 = vector.extract %reduce_sum3A_80[15] : f32 from vector<16xf32>
    %get3A_82 = arith.constant 0 : index
    %get3A_83 = tpu.vector_load %arg8[%get3A_82] {strides = array<i32>} : memref<64xf32, #tpu.memory_space<vmem>>, vector<16xf32>,
    %convert_element_type3A = arith.fptosi %get3A_83 : vector<16xf32> to vector<16xi32>
    %get3A_84 = arith.constant 0 : index
    %get3A_85 = tpu.vector_load %arg9[%get3A_84] {strides = array<i32>} : memref<64xf32, #tpu.memory_space<vmem>>, vector<16xf32>,
    %convert_element_type3A_86 = arith.fptosi %get3A_85 : vector<16xf32> to vector<16xi32>
    %get3A_87 = arith.constant 0 : index
    %get3A_88 = tpu.vector_load %arg10[%get3A_87] {strides = array<i32>} : memref<64xf32, #tpu.memory_space<vmem>>, vector<16xf32>,
    %get3A_89 = arith.constant 0 : index
    %get3A_90 = tpu.vector_load %arg11[%get3A_89] {strides = array<i32>} : memref<64xf32, #tpu.memory_space<vmem>>, vector<16xf32>,
    %broadcast_in_dim3A_91 = arith.constant 0.000000e+00 : f32
    %broadcast_in_dim3A_92 = vector.broadcast %broadcast_in_dim3A_91 : f32 to vector<16xf32>
    %eq3A_93 = arith.constant 0.000000e+00 : f32
    %eq3A_94 = vector.broadcast %eq3A_93 : f32 to vector<16xf32>
    %eq3A_95 = arith.cmpf oeq, %get3A_85, %eq3A_94 : vector<16xf32>
    %jit3A_96 = arith.constant 0.000000e+00 : f32
    %broadcast_in_dim3A_97 = vector.broadcast %reduce_sum3A_11 : f32 to vector<16xf32>
    %broadcast_in_dim3A_98 = vector.broadcast %jit3A_96 : f32 to vector<16xf32>
    %select_n3A_99 = arith.select %eq3A_95, %broadcast_in_dim3A_97, %broadcast_in_dim3A_98 : vector<16xi1>, vector<16xf32>
    %add3A_100 = arith.addf %broadcast_in_dim3A_92, %select_n3A_99 : vector<16xf32>
    %eq3A_101 = arith.constant 1.000000e+00 : f32
    %eq3A_102 = vector.broadcast %eq3A_101 : f32 to vector<16xf32>
    %eq3A_103 = arith.cmpf oeq, %get3A_85, %eq3A_102 : vector<16xf32>
    %jit3A_104 = arith.constant 0.000000e+00 : f32
    %broadcast_in_dim3A_105 = vector.broadcast %reduce_sum3A_21 : f32 to vector<16xf32>
    %broadcast_in_dim3A_106 = vector.broadcast %jit3A_104 : f32 to vector<16xf32>
    %select_n3A_107 = arith.select %eq3A_103, %broadcast_in_dim3A_105, %broadcast_in_dim3A_106 : vector<16xi1>, vector<16xf32>
    %add3A_108 = arith.addf %add3A_100, %select_n3A_107 : vector<16xf32>
    %eq3A_109 = arith.constant 2.000000e+00 : f32
    %eq3A_110 = vector.broadcast %eq3A_109 : f32 to vector<16xf32>
    %eq3A_111 = arith.cmpf oeq, %get3A_85, %eq3A_110 : vector<16xf32>
    %jit3A_112 = arith.constant 0.000000e+00 : f32
    %broadcast_in_dim3A_113 = vector.broadcast %reduce_sum3A_31 : f32 to vector<16xf32>
    %broadcast_in_dim3A_114 = vector.broadcast %jit3A_112 : f32 to vector<16xf32>
    %select_n3A_115 = arith.select %eq3A_111, %broadcast_in_dim3A_113, %broadcast_in_dim3A_114 : vector<16xi1>, vector<16xf32>
    %add3A_116 = arith.addf %add3A_108, %select_n3A_115 : vector<16xf32>
    %eq3A_117 = arith.constant 3.000000e+00 : f32
    %eq3A_118 = vector.broadcast %eq3A_117 : f32 to vector<16xf32>
    %eq3A_119 = arith.cmpf oeq, %get3A_85, %eq3A_118 : vector<16xf32>
    %jit3A_120 = arith.constant 0.000000e+00 : f32
    %broadcast_in_dim3A_121 = vector.broadcast %reduce_sum3A_41 : f32 to vector<16xf32>
    %broadcast_in_dim3A_122 = vector.broadcast %jit3A_120 : f32 to vector<16xf32>
    %select_n3A_123 = arith.select %eq3A_119, %broadcast_in_dim3A_121, %broadcast_in_dim3A_122 : vector<16xi1>, vector<16xf32>
    %add3A_124 = arith.addf %add3A_116, %select_n3A_123 : vector<16xf32>
    %eq3A_125 = arith.constant 4.000000e+00 : f32
    %eq3A_126 = vector.broadcast %eq3A_125 : f32 to vector<16xf32>
    %eq3A_127 = arith.cmpf oeq, %get3A_85, %eq3A_126 : vector<16xf32>
    %jit3A_128 = arith.constant 0.000000e+00 : f32
    %broadcast_in_dim3A_129 = vector.broadcast %reduce_sum3A_51 : f32 to vector<16xf32>
    %broadcast_in_dim3A_130 = vector.broadcast %jit3A_128 : f32 to vector<16xf32>
    %select_n3A_131 = arith.select %eq3A_127, %broadcast_in_dim3A_129, %broadcast_in_dim3A_130 : vector<16xi1>, vector<16xf32>
    %add3A_132 = arith.addf %add3A_124, %select_n3A_131 : vector<16xf32>
    %eq3A_133 = arith.constant 5.000000e+00 : f32
    %eq3A_134 = vector.broadcast %eq3A_133 : f32 to vector<16xf32>
    %eq3A_135 = arith.cmpf oeq, %get3A_85, %eq3A_134 : vector<16xf32>
    %jit3A_136 = arith.constant 0.000000e+00 : f32
    %broadcast_in_dim3A_137 = vector.broadcast %reduce_sum3A_61 : f32 to vector<16xf32>
    %broadcast_in_dim3A_138 = vector.broadcast %jit3A_136 : f32 to vector<16xf32>
    %select_n3A_139 = arith.select %eq3A_135, %broadcast_in_dim3A_137, %broadcast_in_dim3A_138 : vector<16xi1>, vector<16xf32>
    %add3A_140 = arith.addf %add3A_132, %select_n3A_139 : vector<16xf32>
    %eq3A_141 = arith.constant 6.000000e+00 : f32
    %eq3A_142 = vector.broadcast %eq3A_141 : f32 to vector<16xf32>
    %eq3A_143 = arith.cmpf oeq, %get3A_85, %eq3A_142 : vector<16xf32>
    %jit3A_144 = arith.constant 0.000000e+00 : f32
    %broadcast_in_dim3A_145 = vector.broadcast %reduce_sum3A_71 : f32 to vector<16xf32>
    %broadcast_in_dim3A_146 = vector.broadcast %jit3A_144 : f32 to vector<16xf32>
    %select_n3A_147 = arith.select %eq3A_143, %broadcast_in_dim3A_145, %broadcast_in_dim3A_146 : vector<16xi1>, vector<16xf32>
    %add3A_148 = arith.addf %add3A_140, %select_n3A_147 : vector<16xf32>
    %eq3A_149 = arith.constant 7.000000e+00 : f32
    %eq3A_150 = vector.broadcast %eq3A_149 : f32 to vector<16xf32>
    %eq3A_151 = arith.cmpf oeq, %get3A_85, %eq3A_150 : vector<16xf32>
    %jit3A_152 = arith.constant 0.000000e+00 : f32
    %broadcast_in_dim3A_153 = vector.broadcast %reduce_sum3A_81 : f32 to vector<16xf32>
    %broadcast_in_dim3A_154 = vector.broadcast %jit3A_152 : f32 to vector<16xf32>
    %select_n3A_155 = arith.select %eq3A_151, %broadcast_in_dim3A_153, %broadcast_in_dim3A_154 : vector<16xi1>, vector<16xf32>
    %add3A_156 = arith.addf %add3A_148, %select_n3A_155 : vector<16xf32>
    %convert_element_type3A_157 = arith.fptosi %add3A_156 : vector<16xf32> to vector<16xi32>
    %add3A_158 = arith.constant 0 : i32
    %add3A_159 = arith.addi %mul3A_2, %add3A_158 : i32
    %add3A_160 = vector.broadcast %add3A_159 : i32 to vector<16xi32>
    %add3A_161 = arith.addi %iota3A, %add3A_160 : vector<16xi32>
    %mul3A_162 = arith.constant 6144 : i32
    %mul3A_163 = vector.broadcast %mul3A_162 : i32 to vector<16xi32>
    %mul3A_164 = arith.muli %add3A_161, %mul3A_163 : vector<16xi32>
    %mul3A_165 = arith.constant 768 : i32
    %mul3A_166 = vector.broadcast %mul3A_165 : i32 to vector<16xi32>
    %mul3A_167 = arith.muli %convert_element_type3A, %mul3A_166 : vector<16xi32>
    %add3A_168 = arith.addi %mul3A_164, %mul3A_167 : vector<16xi32>
    %swap3A = arith.constant 0 : index
    %swap3A_169 = tpu.vector_load %arg13[%swap3A] {strides = array<i32>} : memref<128xi32, #tpu.memory_space<vmem>>, vector<16xi32>,
    tpu.vector_store %arg13[%swap3A], %add3A_168 {strides = array<i32>} : memref<128xi32, #tpu.memory_space<vmem>>, vector<16xi32>,
    %mul3A_170 = arith.constant 768 : i32
    %mul3A_171 = vector.broadcast %mul3A_170 : i32 to vector<16xi32>
    %mul3A_172 = arith.muli %convert_element_type3A_86, %mul3A_171 : vector<16xi32>
    %add3A_173 = arith.addi %mul3A_164, %mul3A_172 : vector<16xi32>
    %add3A_174 = arith.addi %add3A_173, %convert_element_type3A_157 : vector<16xi32>
    %swap3A_175 = arith.constant 64 : index
    %swap3A_176 = tpu.vector_load %arg13[%swap3A_175] {strides = array<i32>} : memref<128xi32, #tpu.memory_space<vmem>>, vector<16xi32>,
    tpu.vector_store %arg13[%swap3A_175], %add3A_174 {strides = array<i32>} : memref<128xi32, #tpu.memory_space<vmem>>, vector<16xi32>,
    %broadcast_in_dim3A_177 = arith.constant 1.000000e+00 : f32
    %broadcast_in_dim3A_178 = vector.broadcast %broadcast_in_dim3A_177 : f32 to vector<16xf32>
    %swap3A_179 = arith.constant 0 : index
    %swap3A_180 = tpu.vector_load %arg14[%swap3A_179] {strides = array<i32>} : memref<128xf32, #tpu.memory_space<vmem>>, vector<16xf32>,
    tpu.vector_store %arg14[%swap3A_179], %broadcast_in_dim3A_178 {strides = array<i32>} : memref<128xf32, #tpu.memory_space<vmem>>, vector<16xf32>,
    %swap3A_181 = arith.constant 64 : index
    %swap3A_182 = tpu.vector_load %arg14[%swap3A_181] {strides = array<i32>} : memref<128xf32, #tpu.memory_space<vmem>>, vector<16xf32>,
    tpu.vector_store %arg14[%swap3A_181], %broadcast_in_dim3A_178 {strides = array<i32>} : memref<128xf32, #tpu.memory_space<vmem>>, vector<16xf32>,
    %swap3A_183 = arith.constant 0 : index
    %swap3A_184 = tpu.vector_load %arg15[%swap3A_183] {strides = array<i32>} : memref<128xf32, #tpu.memory_space<vmem>>, vector<16xf32>,
    tpu.vector_store %arg15[%swap3A_183], %get3A_88 {strides = array<i32>} : memref<128xf32, #tpu.memory_space<vmem>>, vector<16xf32>,
    %swap3A_185 = arith.constant 64 : index
    %swap3A_186 = tpu.vector_load %arg15[%swap3A_185] {strides = array<i32>} : memref<128xf32, #tpu.memory_space<vmem>>, vector<16xf32>,
    tpu.vector_store %arg15[%swap3A_185], %get3A_90 {strides = array<i32>} : memref<128xf32, #tpu.memory_space<vmem>>, vector<16xf32>,
    %get3A_187 = arith.constant 16 : index
    %get3A_188 = tpu.vector_load %arg8[%get3A_187] {strides = array<i32>} : memref<64xf32, #tpu.memory_space<vmem>>, vector<16xf32>,
    %convert_element_type3A_189 = arith.fptosi %get3A_188 : vector<16xf32> to vector<16xi32>
    %get3A_190 = arith.constant 16 : index
    %get3A_191 = tpu.vector_load %arg9[%get3A_190] {strides = array<i32>} : memref<64xf32, #tpu.memory_space<vmem>>, vector<16xf32>,
    %convert_element_type3A_192 = arith.fptosi %get3A_191 : vector<16xf32> to vector<16xi32>
    %get3A_193 = arith.constant 16 : index
    %get3A_194 = tpu.vector_load %arg10[%get3A_193] {strides = array<i32>} : memref<64xf32, #tpu.memory_space<vmem>>, vector<16xf32>,
    %get3A_195 = arith.constant 16 : index
    %get3A_196 = tpu.vector_load %arg11[%get3A_195] {strides = array<i32>} : memref<64xf32, #tpu.memory_space<vmem>>, vector<16xf32>,
    %broadcast_in_dim3A_197 = arith.constant 0.000000e+00 : f32
    %broadcast_in_dim3A_198 = vector.broadcast %broadcast_in_dim3A_197 : f32 to vector<16xf32>
    %eq3A_199 = arith.constant 0.000000e+00 : f32
    %eq3A_200 = vector.broadcast %eq3A_199 : f32 to vector<16xf32>
    %eq3A_201 = arith.cmpf oeq, %get3A_191, %eq3A_200 : vector<16xf32>
    %jit3A_202 = arith.constant 0.000000e+00 : f32
    %broadcast_in_dim3A_203 = vector.broadcast %reduce_sum3A_11 : f32 to vector<16xf32>
    %broadcast_in_dim3A_204 = vector.broadcast %jit3A_202 : f32 to vector<16xf32>
    %select_n3A_205 = arith.select %eq3A_201, %broadcast_in_dim3A_203, %broadcast_in_dim3A_204 : vector<16xi1>, vector<16xf32>
    %add3A_206 = arith.addf %broadcast_in_dim3A_198, %select_n3A_205 : vector<16xf32>
    %eq3A_207 = arith.constant 1.000000e+00 : f32
    %eq3A_208 = vector.broadcast %eq3A_207 : f32 to vector<16xf32>
    %eq3A_209 = arith.cmpf oeq, %get3A_191, %eq3A_208 : vector<16xf32>
    %jit3A_210 = arith.constant 0.000000e+00 : f32
    %broadcast_in_dim3A_211 = vector.broadcast %reduce_sum3A_21 : f32 to vector<16xf32>
    %broadcast_in_dim3A_212 = vector.broadcast %jit3A_210 : f32 to vector<16xf32>
    %select_n3A_213 = arith.select %eq3A_209, %broadcast_in_dim3A_211, %broadcast_in_dim3A_212 : vector<16xi1>, vector<16xf32>
    %add3A_214 = arith.addf %add3A_206, %select_n3A_213 : vector<16xf32>
    %eq3A_215 = arith.constant 2.000000e+00 : f32
    %eq3A_216 = vector.broadcast %eq3A_215 : f32 to vector<16xf32>
    %eq3A_217 = arith.cmpf oeq, %get3A_191, %eq3A_216 : vector<16xf32>
    %jit3A_218 = arith.constant 0.000000e+00 : f32
    %broadcast_in_dim3A_219 = vector.broadcast %reduce_sum3A_31 : f32 to vector<16xf32>
    %broadcast_in_dim3A_220 = vector.broadcast %jit3A_218 : f32 to vector<16xf32>
    %select_n3A_221 = arith.select %eq3A_217, %broadcast_in_dim3A_219, %broadcast_in_dim3A_220 : vector<16xi1>, vector<16xf32>
    %add3A_222 = arith.addf %add3A_214, %select_n3A_221 : vector<16xf32>
    %eq3A_223 = arith.constant 3.000000e+00 : f32
    %eq3A_224 = vector.broadcast %eq3A_223 : f32 to vector<16xf32>
    %eq3A_225 = arith.cmpf oeq, %get3A_191, %eq3A_224 : vector<16xf32>
    %jit3A_226 = arith.constant 0.000000e+00 : f32
    %broadcast_in_dim3A_227 = vector.broadcast %reduce_sum3A_41 : f32 to vector<16xf32>
    %broadcast_in_dim3A_228 = vector.broadcast %jit3A_226 : f32 to vector<16xf32>
    %select_n3A_229 = arith.select %eq3A_225, %broadcast_in_dim3A_227, %broadcast_in_dim3A_228 : vector<16xi1>, vector<16xf32>
    %add3A_230 = arith.addf %add3A_222, %select_n3A_229 : vector<16xf32>
    %eq3A_231 = arith.constant 4.000000e+00 : f32
    %eq3A_232 = vector.broadcast %eq3A_231 : f32 to vector<16xf32>
    %eq3A_233 = arith.cmpf oeq, %get3A_191, %eq3A_232 : vector<16xf32>
    %jit3A_234 = arith.constant 0.000000e+00 : f32
    %broadcast_in_dim3A_235 = vector.broadcast %reduce_sum3A_51 : f32 to vector<16xf32>
    %broadcast_in_dim3A_236 = vector.broadcast %jit3A_234 : f32 to vector<16xf32>
    %select_n3A_237 = arith.select %eq3A_233, %broadcast_in_dim3A_235, %broadcast_in_dim3A_236 : vector<16xi1>, vector<16xf32>
    %add3A_238 = arith.addf %add3A_230, %select_n3A_237 : vector<16xf32>
    %eq3A_239 = arith.constant 5.000000e+00 : f32
    %eq3A_240 = vector.broadcast %eq3A_239 : f32 to vector<16xf32>
    %eq3A_241 = arith.cmpf oeq, %get3A_191, %eq3A_240 : vector<16xf32>
    %jit3A_242 = arith.constant 0.000000e+00 : f32
    %broadcast_in_dim3A_243 = vector.broadcast %reduce_sum3A_61 : f32 to vector<16xf32>
    %broadcast_in_dim3A_244 = vector.broadcast %jit3A_242 : f32 to vector<16xf32>
    %select_n3A_245 = arith.select %eq3A_241, %broadcast_in_dim3A_243, %broadcast_in_dim3A_244 : vector<16xi1>, vector<16xf32>
    %add3A_246 = arith.addf %add3A_238, %select_n3A_245 : vector<16xf32>
    %eq3A_247 = arith.constant 6.000000e+00 : f32
    %eq3A_248 = vector.broadcast %eq3A_247 : f32 to vector<16xf32>
    %eq3A_249 = arith.cmpf oeq, %get3A_191, %eq3A_248 : vector<16xf32>
    %jit3A_250 = arith.constant 0.000000e+00 : f32
    %broadcast_in_dim3A_251 = vector.broadcast %reduce_sum3A_71 : f32 to vector<16xf32>
    %broadcast_in_dim3A_252 = vector.broadcast %jit3A_250 : f32 to vector<16xf32>
    %select_n3A_253 = arith.select %eq3A_249, %broadcast_in_dim3A_251, %broadcast_in_dim3A_252 : vector<16xi1>, vector<16xf32>
    %add3A_254 = arith.addf %add3A_246, %select_n3A_253 : vector<16xf32>
    %eq3A_255 = arith.constant 7.000000e+00 : f32
    %eq3A_256 = vector.broadcast %eq3A_255 : f32 to vector<16xf32>
    %eq3A_257 = arith.cmpf oeq, %get3A_191, %eq3A_256 : vector<16xf32>
    %jit3A_258 = arith.constant 0.000000e+00 : f32
    %broadcast_in_dim3A_259 = vector.broadcast %reduce_sum3A_81 : f32 to vector<16xf32>
    %broadcast_in_dim3A_260 = vector.broadcast %jit3A_258 : f32 to vector<16xf32>
    %select_n3A_261 = arith.select %eq3A_257, %broadcast_in_dim3A_259, %broadcast_in_dim3A_260 : vector<16xi1>, vector<16xf32>
    %add3A_262 = arith.addf %add3A_254, %select_n3A_261 : vector<16xf32>
    %convert_element_type3A_263 = arith.fptosi %add3A_262 : vector<16xf32> to vector<16xi32>
    %add3A_264 = arith.constant 16 : i32
    %add3A_265 = arith.addi %mul3A_2, %add3A_264 : i32
    %add3A_266 = vector.broadcast %add3A_265 : i32 to vector<16xi32>
    %add3A_267 = arith.addi %iota3A, %add3A_266 : vector<16xi32>
    %mul3A_268 = arith.constant 6144 : i32
    %mul3A_269 = vector.broadcast %mul3A_268 : i32 to vector<16xi32>
    %mul3A_270 = arith.muli %add3A_267, %mul3A_269 : vector<16xi32>
    %mul3A_271 = arith.constant 768 : i32
    %mul3A_272 = vector.broadcast %mul3A_271 : i32 to vector<16xi32>
    %mul3A_273 = arith.muli %convert_element_type3A_189, %mul3A_272 : vector<16xi32>
    %add3A_274 = arith.addi %mul3A_270, %mul3A_273 : vector<16xi32>
    %swap3A_275 = arith.constant 16 : index
    %swap3A_276 = tpu.vector_load %arg13[%swap3A_275] {strides = array<i32>} : memref<128xi32, #tpu.memory_space<vmem>>, vector<16xi32>,
    tpu.vector_store %arg13[%swap3A_275], %add3A_274 {strides = array<i32>} : memref<128xi32, #tpu.memory_space<vmem>>, vector<16xi32>,
    %mul3A_277 = arith.constant 768 : i32
    %mul3A_278 = vector.broadcast %mul3A_277 : i32 to vector<16xi32>
    %mul3A_279 = arith.muli %convert_element_type3A_192, %mul3A_278 : vector<16xi32>
    %add3A_280 = arith.addi %mul3A_270, %mul3A_279 : vector<16xi32>
    %add3A_281 = arith.addi %add3A_280, %convert_element_type3A_263 : vector<16xi32>
    %swap3A_282 = arith.constant 80 : index
    %swap3A_283 = tpu.vector_load %arg13[%swap3A_282] {strides = array<i32>} : memref<128xi32, #tpu.memory_space<vmem>>, vector<16xi32>,
    tpu.vector_store %arg13[%swap3A_282], %add3A_281 {strides = array<i32>} : memref<128xi32, #tpu.memory_space<vmem>>, vector<16xi32>,
    %broadcast_in_dim3A_284 = arith.constant 1.000000e+00 : f32
    %broadcast_in_dim3A_285 = vector.broadcast %broadcast_in_dim3A_284 : f32 to vector<16xf32>
    %swap3A_286 = arith.constant 16 : index
    %swap3A_287 = tpu.vector_load %arg14[%swap3A_286] {strides = array<i32>} : memref<128xf32, #tpu.memory_space<vmem>>, vector<16xf32>,
    tpu.vector_store %arg14[%swap3A_286], %broadcast_in_dim3A_285 {strides = array<i32>} : memref<128xf32, #tpu.memory_space<vmem>>, vector<16xf32>,
    %swap3A_288 = arith.constant 80 : index
    %swap3A_289 = tpu.vector_load %arg14[%swap3A_288] {strides = array<i32>} : memref<128xf32, #tpu.memory_space<vmem>>, vector<16xf32>,
    tpu.vector_store %arg14[%swap3A_288], %broadcast_in_dim3A_285 {strides = array<i32>} : memref<128xf32, #tpu.memory_space<vmem>>, vector<16xf32>,
    %swap3A_290 = arith.constant 16 : index
    %swap3A_291 = tpu.vector_load %arg15[%swap3A_290] {strides = array<i32>} : memref<128xf32, #tpu.memory_space<vmem>>, vector<16xf32>,
    tpu.vector_store %arg15[%swap3A_290], %get3A_194 {strides = array<i32>} : memref<128xf32, #tpu.memory_space<vmem>>, vector<16xf32>,
    %swap3A_292 = arith.constant 80 : index
    %swap3A_293 = tpu.vector_load %arg15[%swap3A_292] {strides = array<i32>} : memref<128xf32, #tpu.memory_space<vmem>>, vector<16xf32>,
    tpu.vector_store %arg15[%swap3A_292], %get3A_196 {strides = array<i32>} : memref<128xf32, #tpu.memory_space<vmem>>, vector<16xf32>,
    %get3A_294 = arith.constant 32 : index
    %get3A_295 = tpu.vector_load %arg8[%get3A_294] {strides = array<i32>} : memref<64xf32, #tpu.memory_space<vmem>>, vector<16xf32>,
    %convert_element_type3A_296 = arith.fptosi %get3A_295 : vector<16xf32> to vector<16xi32>
    %get3A_297 = arith.constant 32 : index
    %get3A_298 = tpu.vector_load %arg9[%get3A_297] {strides = array<i32>} : memref<64xf32, #tpu.memory_space<vmem>>, vector<16xf32>,
    %convert_element_type3A_299 = arith.fptosi %get3A_298 : vector<16xf32> to vector<16xi32>
    %get3A_300 = arith.constant 32 : index
    %get3A_301 = tpu.vector_load %arg10[%get3A_300] {strides = array<i32>} : memref<64xf32, #tpu.memory_space<vmem>>, vector<16xf32>,
    %get3A_302 = arith.constant 32 : index
    %get3A_303 = tpu.vector_load %arg11[%get3A_302] {strides = array<i32>} : memref<64xf32, #tpu.memory_space<vmem>>, vector<16xf32>,
    %broadcast_in_dim3A_304 = arith.constant 0.000000e+00 : f32
    %broadcast_in_dim3A_305 = vector.broadcast %broadcast_in_dim3A_304 : f32 to vector<16xf32>
    %eq3A_306 = arith.constant 0.000000e+00 : f32
    %eq3A_307 = vector.broadcast %eq3A_306 : f32 to vector<16xf32>
    %eq3A_308 = arith.cmpf oeq, %get3A_298, %eq3A_307 : vector<16xf32>
    %jit3A_309 = arith.constant 0.000000e+00 : f32
    %broadcast_in_dim3A_310 = vector.broadcast %reduce_sum3A_11 : f32 to vector<16xf32>
    %broadcast_in_dim3A_311 = vector.broadcast %jit3A_309 : f32 to vector<16xf32>
    %select_n3A_312 = arith.select %eq3A_308, %broadcast_in_dim3A_310, %broadcast_in_dim3A_311 : vector<16xi1>, vector<16xf32>
    %add3A_313 = arith.addf %broadcast_in_dim3A_305, %select_n3A_312 : vector<16xf32>
    %eq3A_314 = arith.constant 1.000000e+00 : f32
    %eq3A_315 = vector.broadcast %eq3A_314 : f32 to vector<16xf32>
    %eq3A_316 = arith.cmpf oeq, %get3A_298, %eq3A_315 : vector<16xf32>
    %jit3A_317 = arith.constant 0.000000e+00 : f32
    %broadcast_in_dim3A_318 = vector.broadcast %reduce_sum3A_21 : f32 to vector<16xf32>
    %broadcast_in_dim3A_319 = vector.broadcast %jit3A_317 : f32 to vector<16xf32>
    %select_n3A_320 = arith.select %eq3A_316, %broadcast_in_dim3A_318, %broadcast_in_dim3A_319 : vector<16xi1>, vector<16xf32>
    %add3A_321 = arith.addf %add3A_313, %select_n3A_320 : vector<16xf32>
    %eq3A_322 = arith.constant 2.000000e+00 : f32
    %eq3A_323 = vector.broadcast %eq3A_322 : f32 to vector<16xf32>
    %eq3A_324 = arith.cmpf oeq, %get3A_298, %eq3A_323 : vector<16xf32>
    %jit3A_325 = arith.constant 0.000000e+00 : f32
    %broadcast_in_dim3A_326 = vector.broadcast %reduce_sum3A_31 : f32 to vector<16xf32>
    %broadcast_in_dim3A_327 = vector.broadcast %jit3A_325 : f32 to vector<16xf32>
    %select_n3A_328 = arith.select %eq3A_324, %broadcast_in_dim3A_326, %broadcast_in_dim3A_327 : vector<16xi1>, vector<16xf32>
    %add3A_329 = arith.addf %add3A_321, %select_n3A_328 : vector<16xf32>
    %eq3A_330 = arith.constant 3.000000e+00 : f32
    %eq3A_331 = vector.broadcast %eq3A_330 : f32 to vector<16xf32>
    %eq3A_332 = arith.cmpf oeq, %get3A_298, %eq3A_331 : vector<16xf32>
    %jit3A_333 = arith.constant 0.000000e+00 : f32
    %broadcast_in_dim3A_334 = vector.broadcast %reduce_sum3A_41 : f32 to vector<16xf32>
    %broadcast_in_dim3A_335 = vector.broadcast %jit3A_333 : f32 to vector<16xf32>
    %select_n3A_336 = arith.select %eq3A_332, %broadcast_in_dim3A_334, %broadcast_in_dim3A_335 : vector<16xi1>, vector<16xf32>
    %add3A_337 = arith.addf %add3A_329, %select_n3A_336 : vector<16xf32>
    %eq3A_338 = arith.constant 4.000000e+00 : f32
    %eq3A_339 = vector.broadcast %eq3A_338 : f32 to vector<16xf32>
    %eq3A_340 = arith.cmpf oeq, %get3A_298, %eq3A_339 : vector<16xf32>
    %jit3A_341 = arith.constant 0.000000e+00 : f32
    %broadcast_in_dim3A_342 = vector.broadcast %reduce_sum3A_51 : f32 to vector<16xf32>
    %broadcast_in_dim3A_343 = vector.broadcast %jit3A_341 : f32 to vector<16xf32>
    %select_n3A_344 = arith.select %eq3A_340, %broadcast_in_dim3A_342, %broadcast_in_dim3A_343 : vector<16xi1>, vector<16xf32>
    %add3A_345 = arith.addf %add3A_337, %select_n3A_344 : vector<16xf32>
    %eq3A_346 = arith.constant 5.000000e+00 : f32
    %eq3A_347 = vector.broadcast %eq3A_346 : f32 to vector<16xf32>
    %eq3A_348 = arith.cmpf oeq, %get3A_298, %eq3A_347 : vector<16xf32>
    %jit3A_349 = arith.constant 0.000000e+00 : f32
    %broadcast_in_dim3A_350 = vector.broadcast %reduce_sum3A_61 : f32 to vector<16xf32>
    %broadcast_in_dim3A_351 = vector.broadcast %jit3A_349 : f32 to vector<16xf32>
    %select_n3A_352 = arith.select %eq3A_348, %broadcast_in_dim3A_350, %broadcast_in_dim3A_351 : vector<16xi1>, vector<16xf32>
    %add3A_353 = arith.addf %add3A_345, %select_n3A_352 : vector<16xf32>
    %eq3A_354 = arith.constant 6.000000e+00 : f32
    %eq3A_355 = vector.broadcast %eq3A_354 : f32 to vector<16xf32>
    %eq3A_356 = arith.cmpf oeq, %get3A_298, %eq3A_355 : vector<16xf32>
    %jit3A_357 = arith.constant 0.000000e+00 : f32
    %broadcast_in_dim3A_358 = vector.broadcast %reduce_sum3A_71 : f32 to vector<16xf32>
    %broadcast_in_dim3A_359 = vector.broadcast %jit3A_357 : f32 to vector<16xf32>
    %select_n3A_360 = arith.select %eq3A_356, %broadcast_in_dim3A_358, %broadcast_in_dim3A_359 : vector<16xi1>, vector<16xf32>
    %add3A_361 = arith.addf %add3A_353, %select_n3A_360 : vector<16xf32>
    %eq3A_362 = arith.constant 7.000000e+00 : f32
    %eq3A_363 = vector.broadcast %eq3A_362 : f32 to vector<16xf32>
    %eq3A_364 = arith.cmpf oeq, %get3A_298, %eq3A_363 : vector<16xf32>
    %jit3A_365 = arith.constant 0.000000e+00 : f32
    %broadcast_in_dim3A_366 = vector.broadcast %reduce_sum3A_81 : f32 to vector<16xf32>
    %broadcast_in_dim3A_367 = vector.broadcast %jit3A_365 : f32 to vector<16xf32>
    %select_n3A_368 = arith.select %eq3A_364, %broadcast_in_dim3A_366, %broadcast_in_dim3A_367 : vector<16xi1>, vector<16xf32>
    %add3A_369 = arith.addf %add3A_361, %select_n3A_368 : vector<16xf32>
    %convert_element_type3A_370 = arith.fptosi %add3A_369 : vector<16xf32> to vector<16xi32>
    %add3A_371 = arith.constant 32 : i32
    %add3A_372 = arith.addi %mul3A_2, %add3A_371 : i32
    %add3A_373 = vector.broadcast %add3A_372 : i32 to vector<16xi32>
    %add3A_374 = arith.addi %iota3A, %add3A_373 : vector<16xi32>
    %mul3A_375 = arith.constant 6144 : i32
    %mul3A_376 = vector.broadcast %mul3A_375 : i32 to vector<16xi32>
    %mul3A_377 = arith.muli %add3A_374, %mul3A_376 : vector<16xi32>
    %mul3A_378 = arith.constant 768 : i32
    %mul3A_379 = vector.broadcast %mul3A_378 : i32 to vector<16xi32>
    %mul3A_380 = arith.muli %convert_element_type3A_296, %mul3A_379 : vector<16xi32>
    %add3A_381 = arith.addi %mul3A_377, %mul3A_380 : vector<16xi32>
    %swap3A_382 = arith.constant 32 : index
    %swap3A_383 = tpu.vector_load %arg13[%swap3A_382] {strides = array<i32>} : memref<128xi32, #tpu.memory_space<vmem>>, vector<16xi32>,
    tpu.vector_store %arg13[%swap3A_382], %add3A_381 {strides = array<i32>} : memref<128xi32, #tpu.memory_space<vmem>>, vector<16xi32>,
    %mul3A_384 = arith.constant 768 : i32
    %mul3A_385 = vector.broadcast %mul3A_384 : i32 to vector<16xi32>
    %mul3A_386 = arith.muli %convert_element_type3A_299, %mul3A_385 : vector<16xi32>
    %add3A_387 = arith.addi %mul3A_377, %mul3A_386 : vector<16xi32>
    %add3A_388 = arith.addi %add3A_387, %convert_element_type3A_370 : vector<16xi32>
    %swap3A_389 = arith.constant 96 : index
    %swap3A_390 = tpu.vector_load %arg13[%swap3A_389] {strides = array<i32>} : memref<128xi32, #tpu.memory_space<vmem>>, vector<16xi32>,
    tpu.vector_store %arg13[%swap3A_389], %add3A_388 {strides = array<i32>} : memref<128xi32, #tpu.memory_space<vmem>>, vector<16xi32>,
    %broadcast_in_dim3A_391 = arith.constant 1.000000e+00 : f32
    %broadcast_in_dim3A_392 = vector.broadcast %broadcast_in_dim3A_391 : f32 to vector<16xf32>
    %swap3A_393 = arith.constant 32 : index
    %swap3A_394 = tpu.vector_load %arg14[%swap3A_393] {strides = array<i32>} : memref<128xf32, #tpu.memory_space<vmem>>, vector<16xf32>,
    tpu.vector_store %arg14[%swap3A_393], %broadcast_in_dim3A_392 {strides = array<i32>} : memref<128xf32, #tpu.memory_space<vmem>>, vector<16xf32>,
    %swap3A_395 = arith.constant 96 : index
    %swap3A_396 = tpu.vector_load %arg14[%swap3A_395] {strides = array<i32>} : memref<128xf32, #tpu.memory_space<vmem>>, vector<16xf32>,
    tpu.vector_store %arg14[%swap3A_395], %broadcast_in_dim3A_392 {strides = array<i32>} : memref<128xf32, #tpu.memory_space<vmem>>, vector<16xf32>,
    %swap3A_397 = arith.constant 32 : index
    %swap3A_398 = tpu.vector_load %arg15[%swap3A_397] {strides = array<i32>} : memref<128xf32, #tpu.memory_space<vmem>>, vector<16xf32>,
    tpu.vector_store %arg15[%swap3A_397], %get3A_301 {strides = array<i32>} : memref<128xf32, #tpu.memory_space<vmem>>, vector<16xf32>,
    %swap3A_399 = arith.constant 96 : index
    %swap3A_400 = tpu.vector_load %arg15[%swap3A_399] {strides = array<i32>} : memref<128xf32, #tpu.memory_space<vmem>>, vector<16xf32>,
    tpu.vector_store %arg15[%swap3A_399], %get3A_303 {strides = array<i32>} : memref<128xf32, #tpu.memory_space<vmem>>, vector<16xf32>,
    %get3A_401 = arith.constant 48 : index
    %get3A_402 = tpu.vector_load %arg8[%get3A_401] {strides = array<i32>} : memref<64xf32, #tpu.memory_space<vmem>>, vector<16xf32>,
    %convert_element_type3A_403 = arith.fptosi %get3A_402 : vector<16xf32> to vector<16xi32>
    %get3A_404 = arith.constant 48 : index
    %get3A_405 = tpu.vector_load %arg9[%get3A_404] {strides = array<i32>} : memref<64xf32, #tpu.memory_space<vmem>>, vector<16xf32>,
    %convert_element_type3A_406 = arith.fptosi %get3A_405 : vector<16xf32> to vector<16xi32>
    %get3A_407 = arith.constant 48 : index
    %get3A_408 = tpu.vector_load %arg10[%get3A_407] {strides = array<i32>} : memref<64xf32, #tpu.memory_space<vmem>>, vector<16xf32>,
    %get3A_409 = arith.constant 48 : index
    %get3A_410 = tpu.vector_load %arg11[%get3A_409] {strides = array<i32>} : memref<64xf32, #tpu.memory_space<vmem>>, vector<16xf32>,
    %broadcast_in_dim3A_411 = arith.constant 0.000000e+00 : f32
    %broadcast_in_dim3A_412 = vector.broadcast %broadcast_in_dim3A_411 : f32 to vector<16xf32>
    %eq3A_413 = arith.constant 0.000000e+00 : f32
    %eq3A_414 = vector.broadcast %eq3A_413 : f32 to vector<16xf32>
    %eq3A_415 = arith.cmpf oeq, %get3A_405, %eq3A_414 : vector<16xf32>
    %jit3A_416 = arith.constant 0.000000e+00 : f32
    %broadcast_in_dim3A_417 = vector.broadcast %reduce_sum3A_11 : f32 to vector<16xf32>
    %broadcast_in_dim3A_418 = vector.broadcast %jit3A_416 : f32 to vector<16xf32>
    %select_n3A_419 = arith.select %eq3A_415, %broadcast_in_dim3A_417, %broadcast_in_dim3A_418 : vector<16xi1>, vector<16xf32>
    %add3A_420 = arith.addf %broadcast_in_dim3A_412, %select_n3A_419 : vector<16xf32>
    %eq3A_421 = arith.constant 1.000000e+00 : f32
    %eq3A_422 = vector.broadcast %eq3A_421 : f32 to vector<16xf32>
    %eq3A_423 = arith.cmpf oeq, %get3A_405, %eq3A_422 : vector<16xf32>
    %jit3A_424 = arith.constant 0.000000e+00 : f32
    %broadcast_in_dim3A_425 = vector.broadcast %reduce_sum3A_21 : f32 to vector<16xf32>
    %broadcast_in_dim3A_426 = vector.broadcast %jit3A_424 : f32 to vector<16xf32>
    %select_n3A_427 = arith.select %eq3A_423, %broadcast_in_dim3A_425, %broadcast_in_dim3A_426 : vector<16xi1>, vector<16xf32>
    %add3A_428 = arith.addf %add3A_420, %select_n3A_427 : vector<16xf32>
    %eq3A_429 = arith.constant 2.000000e+00 : f32
    %eq3A_430 = vector.broadcast %eq3A_429 : f32 to vector<16xf32>
    %eq3A_431 = arith.cmpf oeq, %get3A_405, %eq3A_430 : vector<16xf32>
    %jit3A_432 = arith.constant 0.000000e+00 : f32
    %broadcast_in_dim3A_433 = vector.broadcast %reduce_sum3A_31 : f32 to vector<16xf32>
    %broadcast_in_dim3A_434 = vector.broadcast %jit3A_432 : f32 to vector<16xf32>
    %select_n3A_435 = arith.select %eq3A_431, %broadcast_in_dim3A_433, %broadcast_in_dim3A_434 : vector<16xi1>, vector<16xf32>
    %add3A_436 = arith.addf %add3A_428, %select_n3A_435 : vector<16xf32>
    %eq3A_437 = arith.constant 3.000000e+00 : f32
    %eq3A_438 = vector.broadcast %eq3A_437 : f32 to vector<16xf32>
    %eq3A_439 = arith.cmpf oeq, %get3A_405, %eq3A_438 : vector<16xf32>
    %jit3A_440 = arith.constant 0.000000e+00 : f32
    %broadcast_in_dim3A_441 = vector.broadcast %reduce_sum3A_41 : f32 to vector<16xf32>
    %broadcast_in_dim3A_442 = vector.broadcast %jit3A_440 : f32 to vector<16xf32>
    %select_n3A_443 = arith.select %eq3A_439, %broadcast_in_dim3A_441, %broadcast_in_dim3A_442 : vector<16xi1>, vector<16xf32>
    %add3A_444 = arith.addf %add3A_436, %select_n3A_443 : vector<16xf32>
    %eq3A_445 = arith.constant 4.000000e+00 : f32
    %eq3A_446 = vector.broadcast %eq3A_445 : f32 to vector<16xf32>
    %eq3A_447 = arith.cmpf oeq, %get3A_405, %eq3A_446 : vector<16xf32>
    %jit3A_448 = arith.constant 0.000000e+00 : f32
    %broadcast_in_dim3A_449 = vector.broadcast %reduce_sum3A_51 : f32 to vector<16xf32>
    %broadcast_in_dim3A_450 = vector.broadcast %jit3A_448 : f32 to vector<16xf32>
    %select_n3A_451 = arith.select %eq3A_447, %broadcast_in_dim3A_449, %broadcast_in_dim3A_450 : vector<16xi1>, vector<16xf32>
    %add3A_452 = arith.addf %add3A_444, %select_n3A_451 : vector<16xf32>
    %eq3A_453 = arith.constant 5.000000e+00 : f32
    %eq3A_454 = vector.broadcast %eq3A_453 : f32 to vector<16xf32>
    %eq3A_455 = arith.cmpf oeq, %get3A_405, %eq3A_454 : vector<16xf32>
    %jit3A_456 = arith.constant 0.000000e+00 : f32
    %broadcast_in_dim3A_457 = vector.broadcast %reduce_sum3A_61 : f32 to vector<16xf32>
    %broadcast_in_dim3A_458 = vector.broadcast %jit3A_456 : f32 to vector<16xf32>
    %select_n3A_459 = arith.select %eq3A_455, %broadcast_in_dim3A_457, %broadcast_in_dim3A_458 : vector<16xi1>, vector<16xf32>
    %add3A_460 = arith.addf %add3A_452, %select_n3A_459 : vector<16xf32>
    %eq3A_461 = arith.constant 6.000000e+00 : f32
    %eq3A_462 = vector.broadcast %eq3A_461 : f32 to vector<16xf32>
    %eq3A_463 = arith.cmpf oeq, %get3A_405, %eq3A_462 : vector<16xf32>
    %jit3A_464 = arith.constant 0.000000e+00 : f32
    %broadcast_in_dim3A_465 = vector.broadcast %reduce_sum3A_71 : f32 to vector<16xf32>
    %broadcast_in_dim3A_466 = vector.broadcast %jit3A_464 : f32 to vector<16xf32>
    %select_n3A_467 = arith.select %eq3A_463, %broadcast_in_dim3A_465, %broadcast_in_dim3A_466 : vector<16xi1>, vector<16xf32>
    %add3A_468 = arith.addf %add3A_460, %select_n3A_467 : vector<16xf32>
    %eq3A_469 = arith.constant 7.000000e+00 : f32
    %eq3A_470 = vector.broadcast %eq3A_469 : f32 to vector<16xf32>
    %eq3A_471 = arith.cmpf oeq, %get3A_405, %eq3A_470 : vector<16xf32>
    %jit3A_472 = arith.constant 0.000000e+00 : f32
    %broadcast_in_dim3A_473 = vector.broadcast %reduce_sum3A_81 : f32 to vector<16xf32>
    %broadcast_in_dim3A_474 = vector.broadcast %jit3A_472 : f32 to vector<16xf32>
    %select_n3A_475 = arith.select %eq3A_471, %broadcast_in_dim3A_473, %broadcast_in_dim3A_474 : vector<16xi1>, vector<16xf32>
    %add3A_476 = arith.addf %add3A_468, %select_n3A_475 : vector<16xf32>
    %convert_element_type3A_477 = arith.fptosi %add3A_476 : vector<16xf32> to vector<16xi32>
    %add3A_478 = arith.constant 48 : i32
    %add3A_479 = arith.addi %mul3A_2, %add3A_478 : i32
    %add3A_480 = vector.broadcast %add3A_479 : i32 to vector<16xi32>
    %add3A_481 = arith.addi %iota3A, %add3A_480 : vector<16xi32>
    %mul3A_482 = arith.constant 6144 : i32
    %mul3A_483 = vector.broadcast %mul3A_482 : i32 to vector<16xi32>
    %mul3A_484 = arith.muli %add3A_481, %mul3A_483 : vector<16xi32>
    %mul3A_485 = arith.constant 768 : i32
    %mul3A_486 = vector.broadcast %mul3A_485 : i32 to vector<16xi32>
    %mul3A_487 = arith.muli %convert_element_type3A_403, %mul3A_486 : vector<16xi32>
    %add3A_488 = arith.addi %mul3A_484, %mul3A_487 : vector<16xi32>
    %swap3A_489 = arith.constant 48 : index
    %swap3A_490 = tpu.vector_load %arg13[%swap3A_489] {strides = array<i32>} : memref<128xi32, #tpu.memory_space<vmem>>, vector<16xi32>,
    tpu.vector_store %arg13[%swap3A_489], %add3A_488 {strides = array<i32>} : memref<128xi32, #tpu.memory_space<vmem>>, vector<16xi32>,
    %mul3A_491 = arith.constant 768 : i32
    %mul3A_492 = vector.broadcast %mul3A_491 : i32 to vector<16xi32>
    %mul3A_493 = arith.muli %convert_element_type3A_406, %mul3A_492 : vector<16xi32>
    %add3A_494 = arith.addi %mul3A_484, %mul3A_493 : vector<16xi32>
    %add3A_495 = arith.addi %add3A_494, %convert_element_type3A_477 : vector<16xi32>
    %swap3A_496 = arith.constant 112 : index
    %swap3A_497 = tpu.vector_load %arg13[%swap3A_496] {strides = array<i32>} : memref<128xi32, #tpu.memory_space<vmem>>, vector<16xi32>,
    tpu.vector_store %arg13[%swap3A_496], %add3A_495 {strides = array<i32>} : memref<128xi32, #tpu.memory_space<vmem>>, vector<16xi32>,
    %broadcast_in_dim3A_498 = arith.constant 1.000000e+00 : f32
    %broadcast_in_dim3A_499 = vector.broadcast %broadcast_in_dim3A_498 : f32 to vector<16xf32>
    %swap3A_500 = arith.constant 48 : index
    %swap3A_501 = tpu.vector_load %arg14[%swap3A_500] {strides = array<i32>} : memref<128xf32, #tpu.memory_space<vmem>>, vector<16xf32>,
    tpu.vector_store %arg14[%swap3A_500], %broadcast_in_dim3A_499 {strides = array<i32>} : memref<128xf32, #tpu.memory_space<vmem>>, vector<16xf32>,
    %swap3A_502 = arith.constant 112 : index
    %swap3A_503 = tpu.vector_load %arg14[%swap3A_502] {strides = array<i32>} : memref<128xf32, #tpu.memory_space<vmem>>, vector<16xf32>,
    tpu.vector_store %arg14[%swap3A_502], %broadcast_in_dim3A_499 {strides = array<i32>} : memref<128xf32, #tpu.memory_space<vmem>>, vector<16xf32>,
    %swap3A_504 = arith.constant 48 : index
    %swap3A_505 = tpu.vector_load %arg15[%swap3A_504] {strides = array<i32>} : memref<128xf32, #tpu.memory_space<vmem>>, vector<16xf32>,
    tpu.vector_store %arg15[%swap3A_504], %get3A_408 {strides = array<i32>} : memref<128xf32, #tpu.memory_space<vmem>>, vector<16xf32>,
    %swap3A_506 = arith.constant 112 : index
    %swap3A_507 = tpu.vector_load %arg15[%swap3A_506] {strides = array<i32>} : memref<128xf32, #tpu.memory_space<vmem>>, vector<16xf32>,
    tpu.vector_store %arg15[%swap3A_506], %get3A_410 {strides = array<i32>} : memref<128xf32, #tpu.memory_space<vmem>>, vector<16xf32>,
    %dma_start3A = arith.constant 0 : i32
    %dma_start3A_508 = tpu.memref_slice %arg4[%dma_start3A] : memref<12582912xf32, #tpu.memory_space<hbm>> -> memref<12582912xf32, #tpu.memory_space<hbm>>
    tpu.enqueue_indirect_dma source(%arg14 : memref<128xf32, #tpu.memory_space<vmem>>) target(%dma_start3A_508 : memref<12582912xf32, #tpu.memory_space<hbm>>) offsets(%arg13 : memref<128xi32, #tpu.memory_space<vmem>>) semaphore(%arg16 : memref<!tpu.dma_semaphore, #tpu.memory_space<semaphore_mem>>)
    %dma_start3A_509 = arith.constant 0 : i32
    %dma_start3A_510 = tpu.memref_slice %arg5[%dma_start3A_509] : memref<12582912xf32, #tpu.memory_space<hbm>> -> memref<12582912xf32, #tpu.memory_space<hbm>>
    tpu.enqueue_indirect_dma source(%arg15 : memref<128xf32, #tpu.memory_space<vmem>>) target(%dma_start3A_510 : memref<12582912xf32, #tpu.memory_space<hbm>>) offsets(%arg13 : memref<128xi32, #tpu.memory_space<vmem>>) semaphore(%arg17 : memref<!tpu.dma_semaphore, #tpu.memory_space<semaphore_mem>>)
    %dma_wait3A = arith.constant 0 : i32
    %dma_wait3A_511 = tpu.memref_slice %arg4[%dma_wait3A] : memref<12582912xf32, #tpu.memory_space<hbm>> -> memref<12582912xf32, #tpu.memory_space<hbm>>
    tpu.wait_indirect_dma semaphore(%arg16 : memref<!tpu.dma_semaphore, #tpu.memory_space<semaphore_mem>>) src(%arg14 : memref<128xf32, #tpu.memory_space<vmem>>) dst(%dma_wait3A_511 : memref<12582912xf32, #tpu.memory_space<hbm>>)
    %dma_wait3A_512 = arith.constant 0 : i32
    %dma_wait3A_513 = tpu.memref_slice %arg5[%dma_wait3A_512] : memref<12582912xf32, #tpu.memory_space<hbm>> -> memref<12582912xf32, #tpu.memory_space<hbm>>
    tpu.wait_indirect_dma semaphore(%arg17 : memref<!tpu.dma_semaphore, #tpu.memory_space<semaphore_mem>>) src(%arg15 : memref<128xf32, #tpu.memory_space<vmem>>) dst(%dma_wait3A_513 : memref<12582912xf32, #tpu.memory_space<hbm>>)
    return
  }
}

module attributes {stable_mosaic.version = 14 : i64} {
  func.func @_tc_router(%arg0: i32, %arg1: memref<256x1024xf32, #tpu.memory_space<vmem>>, %arg2: memref<1024x1024xf32, #tpu.memory_space<vmem>>, %arg3: memref<1x1024xf32, #tpu.memory_space<vmem>>, %arg4: memref<1024x8xf32, #tpu.memory_space<vmem>>, %arg5: memref<1x8xf32, #tpu.memory_space<vmem>>, %arg6: memref<1572864xf32, #tpu.memory_space<vmem>>, %arg7: memref<1572864xf32, #tpu.memory_space<vmem>>, %arg8: memref<256x8xf32, #tpu.memory_space<vmem>>, %arg9: memref<1x1xf32, #tpu.memory_space<vmem>>, %arg10: memref<8x256xf32, #tpu.memory_space<vmem>>, %arg11: memref<1x16xf32, #tpu.memory_space<vmem>>, %arg12: memref<1x8xf32, #tpu.memory_space<vmem>>, %arg13: memref<1x8xf32, #tpu.memory_space<vmem>>) attributes {dimension_semantics = [#tpu.dimension_semantics<arbitrary>], iteration_bounds = array<i64: 8>, scalar_prefetch = 0 : i64, scratch_operands = 2 : i64, tpu.core_type = #tpu.core_type<tc>, window_params = [{transform_indices = @transform_0, window_bounds = array<i64: 256, 1024>}, {pipeline_mode = #tpu.pipeline_mode<synchronous>, transform_indices = @transform_1, window_bounds = array<i64: 1024, 1024>}, {pipeline_mode = #tpu.pipeline_mode<synchronous>, transform_indices = @transform_2, window_bounds = array<i64: 1, 1024>}, {pipeline_mode = #tpu.pipeline_mode<synchronous>, transform_indices = @transform_3, window_bounds = array<i64: 1024, 8>}, {pipeline_mode = #tpu.pipeline_mode<synchronous>, transform_indices = @transform_4, window_bounds = array<i64: 1, 8>}, {transform_indices = @transform_5, window_bounds = array<i64: 1572864>}, {transform_indices = @transform_6, window_bounds = array<i64: 1572864>}, {transform_indices = @transform_7, window_bounds = array<i64: 256, 8>}, {pipeline_mode = #tpu.pipeline_mode<synchronous>, transform_indices = @transform_8, window_bounds = array<i64: 1, 1>}, {transform_indices = @transform_9, window_bounds = array<i64: 8, 256>}, {pipeline_mode = #tpu.pipeline_mode<synchronous>, transform_indices = @transform_10, window_bounds = array<i64: 1, 16>}]} {
    %iota3A = tpu.iota {dimensions = array<i32: 1>} : vector<256x8xi32>
    %broadcast_in_dim3A = arith.constant 0.000000e+00 : f32
    %broadcast_in_dim3A_0 = vector.broadcast %broadcast_in_dim3A : f32 to vector<1572864xf32>
    %swap3A = arith.constant 0 : index
    %swap3A_1 = vector.load %arg6[%swap3A] : memref<1572864xf32, #tpu.memory_space<vmem>>, vector<1572864xf32>
    tpu.vector_store %arg6[%swap3A], %broadcast_in_dim3A_0 {strides = array<i32>} : memref<1572864xf32, #tpu.memory_space<vmem>>, vector<1572864xf32>,
    %broadcast_in_dim3A_2 = arith.constant 0.000000e+00 : f32
    %broadcast_in_dim3A_3 = vector.broadcast %broadcast_in_dim3A_2 : f32 to vector<1572864xf32>
    %swap3A_4 = arith.constant 0 : index
    %swap3A_5 = vector.load %arg7[%swap3A_4] : memref<1572864xf32, #tpu.memory_space<vmem>>, vector<1572864xf32>
    tpu.vector_store %arg7[%swap3A_4], %broadcast_in_dim3A_3 {strides = array<i32>} : memref<1572864xf32, #tpu.memory_space<vmem>>, vector<1572864xf32>,
    %get3A = arith.constant 0 : index
    %get3A_6 = arith.constant 0 : index
    %get3A_7 = vector.load %arg1[%get3A, %get3A_6] : memref<256x1024xf32, #tpu.memory_space<vmem>>, vector<256x1024xf32>
    %get3A_8 = arith.constant 0 : index
    %get3A_9 = arith.constant 0 : index
    %get3A_10 = vector.load %arg2[%get3A_8, %get3A_9] : memref<1024x1024xf32, #tpu.memory_space<vmem>>, vector<1024x1024xf32>
    %dot_general3A = arith.constant dense<0.000000e+00> : vector<256x1024xf32>
    %dot_general3A_11 = tpu.matmul %get3A_7, %get3A_10, %dot_general3A {dimension_numbers = #tpu.dot_dimension_numbers<[1], [0], [0], [1], [0, 0, 1, 1], [], []>, transpose_lhs_hint = false} : vector<256x1024xf32>, vector<1024x1024xf32>, vector<256x1024xf32> -> vector<256x1024xf32>
    %get3A_12 = arith.constant 0 : index
    %get3A_13 = arith.constant 0 : index
    %get3A_14 = vector.load %arg3[%get3A_12, %get3A_13] : memref<1x1024xf32, #tpu.memory_space<vmem>>, vector<1x1024xf32>
    %add3A = vector.broadcast %get3A_14 : vector<1x1024xf32> to vector<256x1024xf32>
    %add3A_15 = arith.addf %dot_general3A_11, %add3A : vector<256x1024xf32>
    %max3A = arith.constant 0.000000e+00 : f32
    %max3A_16 = vector.broadcast %max3A : f32 to vector<256x1024xf32>
    %max3A_17 = arith.maximumf %add3A_15, %max3A_16 : vector<256x1024xf32>
    %get3A_18 = arith.constant 0 : index
    %get3A_19 = arith.constant 0 : index
    %get3A_20 = vector.load %arg4[%get3A_18, %get3A_19] : memref<1024x8xf32, #tpu.memory_space<vmem>>, vector<1024x8xf32>
    %dot_general3A_21 = arith.constant dense<0.000000e+00> : vector<256x8xf32>
    %dot_general3A_22 = tpu.matmul %max3A_17, %get3A_20, %dot_general3A_21 {dimension_numbers = #tpu.dot_dimension_numbers<[1], [0], [0], [1], [0, 0, 1, 1], [], []>, transpose_lhs_hint = false} : vector<256x1024xf32>, vector<1024x8xf32>, vector<256x8xf32> -> vector<256x8xf32>
    %get3A_23 = arith.constant 0 : index
    %get3A_24 = arith.constant 0 : index
    %get3A_25 = vector.load %arg5[%get3A_23, %get3A_24] : memref<1x8xf32, #tpu.memory_space<vmem>>, vector<1x8xf32>
    %add3A_26 = vector.broadcast %get3A_25 : vector<1x8xf32> to vector<256x8xf32>
    %add3A_27 = arith.addf %dot_general3A_22, %add3A_26 : vector<256x8xf32>
    %reduce_max3A = arith.constant dense<0xFF800000> : vector<256xf32>
    %reduce_max3A_28 = vector.multi_reduction <maximumf>, %add3A_27, %reduce_max3A [1] : vector<256x8xf32> to vector<256xf32>
    %broadcast_in_dim3A_29 = vector.shape_cast %reduce_max3A_28 : vector<256xf32> to vector<256x1xf32>
    %sub3A = vector.broadcast %broadcast_in_dim3A_29 : vector<256x1xf32> to vector<256x8xf32>
    %sub3A_30 = arith.subf %add3A_27, %sub3A : vector<256x8xf32>
    %exp3A = math.exp %sub3A_30 : vector<256x8xf32>
    %reduce_sum3A = arith.constant dense<0.000000e+00> : vector<256xf32>
    %reduce_sum3A_31 = vector.multi_reduction <add>, %exp3A, %reduce_sum3A [1] : vector<256x8xf32> to vector<256xf32>
    %broadcast_in_dim3A_32 = vector.shape_cast %reduce_sum3A_31 : vector<256xf32> to vector<256x1xf32>
    %div3A = vector.broadcast %broadcast_in_dim3A_32 : vector<256x1xf32> to vector<256x8xf32>
    %div3A_33 = arith.divf %exp3A, %div3A : vector<256x8xf32>
    %swap3A_34 = arith.constant 0 : index
    %swap3A_35 = arith.constant 0 : index
    %swap3A_36 = vector.load %arg8[%swap3A_34, %swap3A_35] : memref<256x8xf32, #tpu.memory_space<vmem>>, vector<256x8xf32>
    tpu.vector_store %arg8[%swap3A_34, %swap3A_35], %div3A_33 {strides = array<i32>} : memref<256x8xf32, #tpu.memory_space<vmem>>, vector<256x8xf32>,
    %iota3A_37 = tpu.iota {dimensions = array<i32: 1>} : vector<256x8xi32>
    %reduce_max3A_38 = arith.constant dense<0xFF800000> : vector<256xf32>
    %reduce_max3A_39 = vector.multi_reduction <maximumf>, %div3A_33, %reduce_max3A_38 [1] : vector<256x8xf32> to vector<256xf32>
    %broadcast_in_dim3A_40 = vector.shape_cast %reduce_max3A_39 : vector<256xf32> to vector<256x1xf32>
    %eq3A = vector.broadcast %broadcast_in_dim3A_40 : vector<256x1xf32> to vector<256x8xf32>
    %eq3A_41 = arith.cmpf oeq, %div3A_33, %eq3A : vector<256x8xf32>
    %jit3A = arith.constant 8 : i32
    %broadcast_in_dim3A_42 = vector.broadcast %jit3A : i32 to vector<256x8xi32>
    %select_n3A = arith.select %eq3A_41, %iota3A_37, %broadcast_in_dim3A_42 : vector<256x8xi1>, vector<256x8xi32>
    %reduce_min3A = arith.constant dense<2147483647> : vector<256xi32>
    %reduce_min3A_43 = vector.multi_reduction <minsi>, %select_n3A, %reduce_min3A [1] : vector<256x8xi32> to vector<256xi32>
    %broadcast_in_dim3A_44 = vector.shape_cast %reduce_min3A_43 : vector<256xi32> to vector<256x1xi32>
    %eq3A_45 = vector.broadcast %broadcast_in_dim3A_44 : vector<256x1xi32> to vector<256x8xi32>
    %eq3A_46 = arith.cmpi eq, %iota3A_37, %eq3A_45 : vector<256x8xi32>
    %jit3A_47 = arith.constant 0xFF800000 : f32
    %broadcast_in_dim3A_48 = vector.broadcast %jit3A_47 : f32 to vector<256x8xf32>
    %select_n3A_49 = arith.select %eq3A_46, %broadcast_in_dim3A_48, %div3A_33 : vector<256x8xi1>, vector<256x8xf32>
    %reduce_max3A_50 = arith.constant dense<0xFF800000> : vector<256xf32>
    %reduce_max3A_51 = vector.multi_reduction <maximumf>, %select_n3A_49, %reduce_max3A_50 [1] : vector<256x8xf32> to vector<256xf32>
    %broadcast_in_dim3A_52 = vector.shape_cast %reduce_max3A_51 : vector<256xf32> to vector<256x1xf32>
    %eq3A_53 = vector.broadcast %broadcast_in_dim3A_52 : vector<256x1xf32> to vector<256x8xf32>
    %eq3A_54 = arith.cmpf oeq, %select_n3A_49, %eq3A_53 : vector<256x8xf32>
    %jit3A_55 = arith.constant 8 : i32
    %broadcast_in_dim3A_56 = vector.broadcast %jit3A_55 : i32 to vector<256x8xi32>
    %select_n3A_57 = arith.select %eq3A_54, %iota3A_37, %broadcast_in_dim3A_56 : vector<256x8xi1>, vector<256x8xi32>
    %reduce_min3A_58 = arith.constant dense<2147483647> : vector<256xi32>
    %reduce_min3A_59 = vector.multi_reduction <minsi>, %select_n3A_57, %reduce_min3A_58 [1] : vector<256x8xi32> to vector<256xi32>
    %broadcast_in_dim3A_60 = vector.shape_cast %reduce_min3A_59 : vector<256xi32> to vector<256x1xi32>
    %add3A_61 = arith.addf %broadcast_in_dim3A_40, %broadcast_in_dim3A_52 : vector<256x1xf32>
    %div3A_62 = arith.divf %broadcast_in_dim3A_40, %add3A_61 : vector<256x1xf32>
    %div3A_63 = arith.divf %broadcast_in_dim3A_52, %add3A_61 : vector<256x1xf32>
    %convert_element_type3A = arith.sitofp %broadcast_in_dim3A_44 : vector<256x1xi32> to vector<256x1xf32>
    %reshape3A = vector.shape_cast %convert_element_type3A : vector<256x1xf32> to vector<1x256xf32>
    %convert_element_type3A_64 = arith.sitofp %broadcast_in_dim3A_60 : vector<256x1xi32> to vector<256x1xf32>
    %reshape3A_65 = vector.shape_cast %convert_element_type3A_64 : vector<256x1xf32> to vector<1x256xf32>
    %reshape3A_66 = vector.shape_cast %div3A_62 : vector<256x1xf32> to vector<1x256xf32>
    %reshape3A_67 = vector.shape_cast %div3A_63 : vector<256x1xf32> to vector<1x256xf32>
    %broadcast_in_dim3A_68 = arith.constant 0.000000e+00 : f32
    %broadcast_in_dim3A_69 = vector.broadcast %broadcast_in_dim3A_68 : f32 to vector<4x256xf32>
    %concatenate3A = tpu.concatenate %reshape3A, %reshape3A_65, %reshape3A_66, %reshape3A_67, %broadcast_in_dim3A_69 in 0 : vector<1x256xf32>, vector<1x256xf32>, vector<1x256xf32>, vector<1x256xf32>, vector<4x256xf32> -> vector<8x256xf32>
    %swap3A_70 = arith.constant 0 : index
    %swap3A_71 = arith.constant 0 : index
    %swap3A_72 = vector.load %arg10[%swap3A_70, %swap3A_71] : memref<8x256xf32, #tpu.memory_space<vmem>>, vector<8x256xf32>
    tpu.vector_store %arg10[%swap3A_70, %swap3A_71], %concatenate3A {strides = array<i32>} : memref<8x256xf32, #tpu.memory_space<vmem>>, vector<8x256xf32>,
    %eq3A_73 = vector.broadcast %broadcast_in_dim3A_44 : vector<256x1xi32> to vector<256x8xi32>
    %eq3A_74 = arith.cmpi eq, %iota3A, %eq3A_73 : vector<256x8xi32>
    %convert_element_type3A_75 = arith.extui %eq3A_74 : vector<256x8xi1> to vector<256x8xi32>
    %convert_element_type3A_76 = arith.sitofp %convert_element_type3A_75 : vector<256x8xi32> to vector<256x8xf32>
    %reduce_max3A_77 = arith.constant dense<0xFF800000> : vector<8xf32>
    %reduce_max3A_78 = vector.multi_reduction <maximumf>, %convert_element_type3A_76, %reduce_max3A_77 [0] : vector<256x8xf32> to vector<8xf32>
    %broadcast_in_dim3A_79 = vector.shape_cast %reduce_max3A_78 : vector<8xf32> to vector<1x8xf32>
    %reduce_sum3A_80 = arith.constant dense<0.000000e+00> : vector<8xf32>
    %reduce_sum3A_81 = vector.multi_reduction <add>, %div3A_33, %reduce_sum3A_80 [0] : vector<256x8xf32> to vector<8xf32>
    %broadcast_in_dim3A_82 = vector.shape_cast %reduce_sum3A_81 : vector<8xf32> to vector<1x8xf32>
    %eq3A_83 = arith.constant 0 : i32
    %eq3A_84 = arith.cmpi eq, %arg0, %eq3A_83 : i32
    %get3A_85 = arith.constant 0 : index
    %get3A_86 = arith.constant 0 : index
    %get3A_87 = vector.load %arg12[%get3A_85, %get3A_86] : memref<1x8xf32, #tpu.memory_space<vmem>>, vector<1x8xf32>
    %max3A_88 = arith.maximumf %get3A_87, %broadcast_in_dim3A_79 : vector<1x8xf32>
    %select_n3A_89 = arith.select %eq3A_84, %broadcast_in_dim3A_79, %max3A_88 : vector<1x8xf32>
    %swap3A_90 = arith.constant 0 : index
    %swap3A_91 = arith.constant 0 : index
    %swap3A_92 = vector.load %arg12[%swap3A_90, %swap3A_91] : memref<1x8xf32, #tpu.memory_space<vmem>>, vector<1x8xf32>
    tpu.vector_store %arg12[%swap3A_90, %swap3A_91], %select_n3A_89 {strides = array<i32>} : memref<1x8xf32, #tpu.memory_space<vmem>>, vector<1x8xf32>,
    %get3A_93 = arith.constant 0 : index
    %get3A_94 = arith.constant 0 : index
    %get3A_95 = vector.load %arg13[%get3A_93, %get3A_94] : memref<1x8xf32, #tpu.memory_space<vmem>>, vector<1x8xf32>
    %add3A_96 = arith.addf %get3A_95, %broadcast_in_dim3A_82 : vector<1x8xf32>
    %select_n3A_97 = arith.select %eq3A_84, %broadcast_in_dim3A_82, %add3A_96 : vector<1x8xf32>
    %swap3A_98 = arith.constant 0 : index
    %swap3A_99 = arith.constant 0 : index
    %swap3A_100 = vector.load %arg13[%swap3A_98, %swap3A_99] : memref<1x8xf32, #tpu.memory_space<vmem>>, vector<1x8xf32>
    tpu.vector_store %arg13[%swap3A_98, %swap3A_99], %select_n3A_97 {strides = array<i32>} : memref<1x8xf32, #tpu.memory_space<vmem>>, vector<1x8xf32>,
    %eq3A_101 = arith.constant 7 : i32
    %eq3A_102 = arith.cmpi eq, %arg0, %eq3A_101 : i32
    %convert_element_type3A_103 = arith.extui %eq3A_102 : i1 to i32
    %cond3A = arith.constant 0 : i32
    %cond3A_104 = arith.cmpi ne, %convert_element_type3A_103, %cond3A : i32
    scf.if %cond3A_104 {
      %get3A_105 = arith.constant 0 : index
      %get3A_106 = arith.constant 0 : index
      %get3A_107 = vector.load %arg13[%get3A_105, %get3A_106] : memref<1x8xf32, #tpu.memory_space<vmem>>, vector<1x8xf32>
      %mul3A = arith.constant 4.8828125E-4 : f32
      %mul3A_108 = vector.broadcast %mul3A : f32 to vector<1x8xf32>
      %mul3A_109 = arith.mulf %get3A_107, %mul3A_108 : vector<1x8xf32>
      %mul3A_110 = arith.constant 8.000000e+00 : f32
      %mul3A_111 = vector.broadcast %mul3A_110 : f32 to vector<1x8xf32>
      %mul3A_112 = arith.mulf %mul3A_109, %mul3A_111 : vector<1x8xf32>
      %add3A_113 = arith.constant 9.99999971E-10 : f32
      %add3A_114 = vector.broadcast %add3A_113 : f32 to vector<1x8xf32>
      %add3A_115 = arith.addf %mul3A_112, %add3A_114 : vector<1x8xf32>
      %log3A = math.log %add3A_115 : vector<1x8xf32>
      %mul3A_116 = arith.mulf %mul3A_109, %log3A : vector<1x8xf32>
      %reduce_sum3A_117 = arith.constant dense<0.000000e+00> : vector<1xf32>
      %reduce_sum3A_118 = vector.multi_reduction <add>, %mul3A_116, %reduce_sum3A_117 [1] : vector<1x8xf32> to vector<1xf32>
      %broadcast_in_dim3A_119 = vector.shape_cast %reduce_sum3A_118 : vector<1xf32> to vector<1x1xf32>
      %swap3A_120 = arith.constant 0 : index
      %swap3A_121 = arith.constant 0 : index
      %swap3A_122 = vector.load %arg9[%swap3A_120, %swap3A_121] : memref<1x1xf32, #tpu.memory_space<vmem>>, vector<1x1xf32>
      tpu.vector_store %arg9[%swap3A_120, %swap3A_121], %broadcast_in_dim3A_119 {strides = array<i32>} : memref<1x1xf32, #tpu.memory_space<vmem>>, vector<1x1xf32>,
      %broadcast_in_dim3A_123 = arith.constant 0.000000e+00 : f32
      %broadcast_in_dim3A_124 = vector.broadcast %broadcast_in_dim3A_123 : f32 to vector<1x8xf32>
      %concatenate3A_125 = tpu.concatenate %select_n3A_89, %broadcast_in_dim3A_124 in 1 : vector<1x8xf32>, vector<1x8xf32> -> vector<1x16xf32>
      %swap3A_126 = arith.constant 0 : index
      %swap3A_127 = arith.constant 0 : index
      %swap3A_128 = vector.load %arg11[%swap3A_126, %swap3A_127] : memref<1x16xf32, #tpu.memory_space<vmem>>, vector<1x16xf32>
      tpu.vector_store %arg11[%swap3A_126, %swap3A_127], %concatenate3A_125 {strides = array<i32>} : memref<1x16xf32, #tpu.memory_space<vmem>>, vector<1x16xf32>,
    } else {
    }
    return
  }
  func.func @transform_0(%arg0: i32) -> (i32, i32) {
    %c0_i32 = arith.constant 0 : i32
    %c0_i32_0 = arith.constant 0 : i32
    return %arg0, %c0_i32 : i32, i32
  }
  func.func @transform_1(%arg0: i32) -> (i32, i32) {
    %c0_i32 = arith.constant 0 : i32
    %c0_i32_0 = arith.constant 0 : i32
    %c0_i32_1 = arith.constant 0 : i32
    return %c0_i32, %c0_i32_0 : i32, i32
  }
  func.func @transform_2(%arg0: i32) -> (i32, i32) {
    %c0_i32 = arith.constant 0 : i32
    %c0_i32_0 = arith.constant 0 : i32
    %c0_i32_1 = arith.constant 0 : i32
    return %c0_i32, %c0_i32_0 : i32, i32
  }
  func.func @transform_3(%arg0: i32) -> (i32, i32) {
    %c0_i32 = arith.constant 0 : i32
    %c0_i32_0 = arith.constant 0 : i32
    %c0_i32_1 = arith.constant 0 : i32
    return %c0_i32, %c0_i32_0 : i32, i32
  }
  func.func @transform_4(%arg0: i32) -> (i32, i32) {
    %c0_i32 = arith.constant 0 : i32
    %c0_i32_0 = arith.constant 0 : i32
    %c0_i32_1 = arith.constant 0 : i32
    return %c0_i32, %c0_i32_0 : i32, i32
  }
  func.func @transform_5(%arg0: i32) -> i32 {
    %c0_i32 = arith.constant 0 : i32
    return %arg0 : i32
  }
  func.func @transform_6(%arg0: i32) -> i32 {
    %c0_i32 = arith.constant 0 : i32
    return %arg0 : i32
  }
  func.func @transform_7(%arg0: i32) -> (i32, i32) {
    %c0_i32 = arith.constant 0 : i32
    %c0_i32_0 = arith.constant 0 : i32
    return %arg0, %c0_i32 : i32, i32
  }
  func.func @transform_8(%arg0: i32) -> (i32, i32) {
    %c0_i32 = arith.constant 0 : i32
    %c0_i32_0 = arith.constant 0 : i32
    %c0_i32_1 = arith.constant 0 : i32
    return %c0_i32, %c0_i32_0 : i32, i32
  }
  func.func @transform_9(%arg0: i32) -> (i32, i32) {
    %c0_i32 = arith.constant 0 : i32
    %c0_i32_0 = arith.constant 0 : i32
    return %c0_i32, %arg0 : i32, i32
  }
  func.func @transform_10(%arg0: i32) -> (i32, i32) {
    %c0_i32 = arith.constant 0 : i32
    %c0_i32_0 = arith.constant 0 : i32
    %c0_i32_1 = arith.constant 0 : i32
    return %c0_i32, %c0_i32_0 : i32, i32
  }
}

</mosaic_0001>

<sc_bundles>
// kernel: kernel.4.cloned.1.call-start
scs
__scs_entry_jumppad:
0x0: {  	(pc) =	sbr.rel $0x88, $3  }
0x1: {  	(tag) =	ssettag $0x0;
	lr =	simm.s32 $0x1  }
0x2: {  	[smem:$0x3F9C] =	sst lr;
	_ =	strace $0xD0000000  }
0x3: {  	_ = 	snop  }
0x4: {  	_ = 	snop  }
0x5: {  	_ = 	snop  }
0x6: {  	_ = 	snop  }
0x7: {  	_ = 	snop  }
__scs_overlays_trampoline_lowered:
0x8: {  	[smem:$0x3FAB] =	sst s0  }
0x9: {  	[smem:$0x3FAC] =	sst s1  }
0xa: {  	[smem:$0x3FAD] =	sst s2  }
0xb: {  	[smem:$0x3FAE] =	sst s3  }
0xc: {  	[smem:$0x3FAF] =	sst s4  }
0xd: {  	[smem:$0x3FB0] =	sst s5  }
0xe: {  	[smem:$0x3FB1] =	sst s6  }
0xf: {  	[smem:$0x3FB2] =	sst s7  }
0x10: {  	[smem:$0x3FB3] =	sst s8  }
0x11: {  	[smem:$0x3FB4] =	sst s9;
	s0 =	simm.s32 @!p0 $0x0  }
0x12: {  	s1 =	sld [smem:$0x3F9A];
	s0 =	simm.s32 @p0 $0x1  }
0x13: {  	[smem:$0x3FB5] =	sst s0;
	s0 =	simm.s32 @!p1 $0x0  }
0x14: {  	s2 =	sld [smem:$0x3F99];
	s0 =	simm.s32 @p1 $0x1  }
0x15: {  	[smem:$0x3FB6] =	sst s0;
	s0 =	simm.s32 @!p2 $0x0  }
0x16: {  	s3 =	sld [smem:$0x3FDB];
	s0 =	simm.s32 @p2 $0x1  }
0x17: {  	s4 =	simm.s32 $0x1BF5;
	[smem:$0x3FB8] =	sst s0  }
0x18: {  	s0 =	sld [smem:$0x3F9B];
	_ =	swait.ge [sflag:s4], $0x0  }
0x19: {  	s7 =	sld [smem:$0x3F9C]  }
0x1a: {  	s8 =	sadd.s32 $0xFFFFE003, lr  }
0x1b: {  	s9 =	sadd.s32 $0xFFFFFEF7, lr;
	s5 =	simm.s32 $0xFFFFFFFF;
	p2 =	slt.u32 s8, $0xFFFFF086  }
0x1c: {  	p1 =	slt.u32 s9, $0xF7A;
	s5 =	simm.s32 @!p2 $0x0  }
0x1d: {  	s5 =	simm.s32 @p1 $0x1;
	p0 =	seq.s32 s7, s2  }
0x1e: {  	s7 =	smul.u32 @!p0 $0xF7A, s2;
	p2 =	seq.s32 @!p0 s5, $0x0  }
0x1f: {  	s9 =	smul.u32 $0xF7A, s1;
	s8 =	simm.s32 @!p0 $0x1BF5;
	p2 =	por !p2, p0  }
0x20: {  	[sflag:s8] =	ssyncset.s32 @!p0 $0xFFFFF086;
	s6 =	sadd.s32 @!p0 s3, s7;
	s7 =	simm.s32 @!p0 $0x108  }
0x21: {  	s3 =	sadd.s32 s3, s9;
	s6 =	sadd.s32 @!p0 $0x88, s6;
	s7 =	simm.s32 @p2 $0x1082  }
0x22: {  	[simem:s7], [sflag:s8] =	dma.local @!p0 [hbm:s6], $0xF7A  }
0x23: {  	s9 =	sor.u32 $0xD0000000, s2;
	s6 =	simm.s32 $0x108;
	_ =	swait.ge @!p0 [sflag:s8], $0x0  }
0x24: {  	s3 =	sadd.s32 $0x88, s3;
	s6 =	simm.s32 @!p1 $0x1082;
	[sflag:s4] =	ssyncset.s32 $0xFFFFF086  }
0x25: {  	[simem:s6], [sflag:s4] =	dma.local [hbm:s3], $0xF7A  }
0x26: {  	[smem:$0x3F9C] =	sst s1;
	(tag) =	ssettag s2;
	_ =	strace s9  }
0x27: {  	s1 =	sld [smem:$0x3FAC]  }
0x28: {  	s2 =	sld [smem:$0x3FAD]  }
0x29: {  	s4 =	sld [smem:$0x3FAF]  }
0x2a: {  	p0 =	seq.s32 s5, $0x0;
	s5 =	sld [smem:$0x3FB0]  }
0x2b: {  	s6 =	sld [smem:$0x3FB1]  }
0x2c: {  	s7 =	sld [smem:$0x3FB2]  }
0x2d: {  	s3 =	simm.s32 $0x108;
	s8 =	sld [smem:$0x3FB3]  }
0x2e: {  	s3 =	simm.s32 @!p0 $0x1082;
	s9 =	sld [smem:$0x3FB4]  }
0x2f: {  	lr =	sadd.s32 s0, s3;
	s0 =	sld [smem:$0x3FAB]  }
0x30: {  	s3 =	sld [smem:$0x3FAE]  }
0x31: {  	[smem:$0x3FB7] =	sst s10  }
0x32: {  	s10 =	sld [smem:$0x3FB5];
	_ =	sdelay $0x3  }
0x33: {  	p0 =	seq.s32 s10, $0x1;
	s10 =	sld [smem:$0x3FB7];
	_ =	sdelay $0x3  }
0x34: {  	[smem:$0x3FB7] =	sst s10  }
0x35: {  	s10 =	sld [smem:$0x3FB6];
	_ =	sdelay $0x3  }
0x36: {  	p1 =	seq.s32 s10, $0x1;
	s10 =	sld [smem:$0x3FB7];
	_ =	sdelay $0x3  }
0x37: {  	[smem:$0x3FB7] =	sst s10  }
0x38: {  	s10 =	sld [smem:$0x3FB8]  }
0x39: {  	_ = 	snop;
	(pc) =	sbr.ind lr, $3  }
0x3a: {  	_ = 	snop  }
0x3b: {  	_ = 	snop  }
0x3c: {  	p2 =	seq.s32 s10, $0x1;
	s10 =	sld [smem:$0x3FB7]  }
0x3d: {  	_ =	shalt  }
0x3e: {  	_ =	shalt  }
0x3f: {  	_ =	shalt  }
0x40: {  	_ =	shalt  }
0x41: {  	_ =	shalt  }
0x42: {  	_ =	shalt  }
0x43: {  	_ =	shalt  }
0x44: {  	_ =	shalt  }
0x45: {  	_ =	shalt  }
0x46: {  	_ =	shalt  }
0x47: {  	_ =	shalt  }
0x48: {  	_ =	shalt  }
0x49: {  	_ =	shalt  }
0x4a: {  	_ =	shalt  }
0x4b: {  	_ =	shalt  }
0x4c: {  	_ =	shalt  }
0x4d: {  	_ =	shalt  }
0x4e: {  	_ =	shalt  }
0x4f: {  	_ =	shalt  }
0x50: {  	_ =	shalt  }
0x51: {  	_ =	shalt  }
0x52: {  	_ =	shalt  }
0x53: {  	_ =	shalt  }
0x54: {  	_ =	shalt  }
0x55: {  	_ =	shalt  }
0x56: {  	_ =	shalt  }
0x57: {  	_ =	shalt  }
0x58: {  	_ =	shalt  }
0x59: {  	_ =	shalt  }
0x5a: {  	_ =	shalt  }
0x5b: {  	_ =	shalt  }
0x5c: {  	_ =	shalt  }
0x5d: {  	_ =	shalt  }
0x5e: {  	_ =	shalt  }
0x5f: {  	_ =	shalt  }
0x60: {  	_ =	shalt  }
0x61: {  	_ =	shalt  }
0x62: {  	_ =	shalt  }
0x63: {  	_ =	shalt  }
0x64: {  	_ =	shalt  }
0x65: {  	_ =	shalt  }
0x66: {  	_ =	shalt  }
0x67: {  	_ =	shalt  }
0x68: {  	_ =	shalt  }
0x69: {  	_ =	shalt  }
0x6a: {  	_ =	shalt  }
0x6b: {  	_ =	shalt  }
0x6c: {  	_ =	shalt  }
0x6d: {  	_ =	shalt  }
0x6e: {  	_ =	shalt  }
0x6f: {  	_ =	shalt  }
0x70: {  	_ =	shalt  }
0x71: {  	_ =	shalt  }
0x72: {  	_ =	shalt  }
0x73: {  	_ =	shalt  }
0x74: {  	_ =	shalt  }
0x75: {  	_ =	shalt  }
0x76: {  	_ =	shalt  }
0x77: {  	_ =	shalt  }
0x78: {  	_ =	shalt  }
0x79: {  	_ =	shalt  }
0x7a: {  	_ =	shalt  }
0x7b: {  	_ =	shalt  }
0x7c: {  	_ =	shalt  }
0x7d: {  	_ =	shalt  }
0x7e: {  	_ =	shalt  }
0x7f: {  	_ =	shalt  }
0x80: {  	_ =	shalt  }
0x81: {  	_ =	shalt  }
0x82: {  	_ =	shalt  }
0x83: {  	_ =	shalt  }
0x84: {  	_ =	shalt  }
0x85: {  	_ =	shalt  }
0x86: {  	_ =	shalt  }
0x87: {  	_ =	shalt  }
.Lfunc_end0:
.L_simem_size_0:
called_computation_lowered:
.L_overlay_start_0:
0x88: {  	s2 =	sld [smem:$0x3FD9]  }
0x89: {  	s3 =	sld [smem:$0x3FFE];
	_ =	sdelay $0x1  }
0x8a: {  	s1 =	srdreg.scid  }
0x8b: {  	s0 =	sand.u32 $0x1, s1  }
0x8c: {  	s14 =	sshll.u32 s0, $0xA;
	s2 =	sadd.s32 s3, s2  }
0x8d: {  	s2 =	sadd.s32 s2, s14  }
0x8e: {  	[smem:$0x3FC3] =	sst s2  }
0x8f: {  	_ = 	snop  }
0x90: {  	s2 =	sld [smem:$0x3FD0];
	_ =	sdelay $0x2  }
0x91: {  	s15 =	simm.s32 $0xA;
	s4 =	simm.s32 $0x10  }
0x92: {  	[smem:s4], [sflag:s15] =	dma.local [hbm:s2], $0x1  }
0x93: {  	_ =	swait.eq [sflag:s15], $0x1  }
0x94: {  	[sflag:s15] =	ssyncset.done $0x0  }
0x95: {  	s16 =	sld [smem:$0x10];
	[sflag:s15] =	ssyncadd.s32 $0xFFFFFFFF  }
0x96: {  	s17 =	sld [smem:$0x11];
	(tm) =	ssettm $0x1  }
0x97: {  	s18 =	sld [smem:$0x3FFB];
	_ =	sdelay $0x3  }
0x98: {  	_ =	strace s18  }
0x99: {  	s4 =	sld [smem:$0x3FFC];
	_ =	sdelay $0x3  }
0x9a: {  	_ =	strace s4  }
0x9b: {  	s4 =	sld [smem:$0x3FFD];
	_ =	sdelay $0x3  }
0x9c: {  	_ =	strace s4  }
0x9d: {  	_ =	strace $0x8FFFFFFF  }
0x9e: {  	s19 =	sld [smem:$0x3FDB];
	_ =	sdelay $0x1  }
0x9f: {  	s5 =	simm.s32 $_scs_section_size  }
0xa0: {  	s6 =	simm.s32 $_size__tile_overlayer_lowered;
	s7 =	simm.s32 $_tile_overlayer_lowered  }
0xa1: {  	s22 =	simm.s32 $0x1BFF;
	s21 =	sshll.u32 s7, $0x1;
	s4 =	sadd.s32 s5, s19  }
0xa2: {  	s8 =	simm.s32 $0x0;
	s20 =	sshll.u32 s6, $0x1;
	s6 =	sadd.s32 s21, s4  }
0xa3: {  	[timem:s8], [sflag:s22] =	dma.local [hbm:s6], s20  }
0xa4: {  	_ =	swait.ge [sflag:s22], s20  }
0xa5: {  	s5 =	ssub.s32 $0x0, s20;
	[sflag:s22] =	ssyncset.done $0x0  }
0xa6: {  	[sflag:s22] =	ssyncadd.s32 s5;
	_ =	sdelay $0x1  }
0xa7: {  	s23 =	simm.s32 $0x1B8B  }
0xa8: {  	_ =	swait.ge [sflag:s23], $0x1  }
0xa9: {  	[sflag:s23] =	ssyncset.done $0x0  }
0xaa: {  	s25 =	simm.s32 $0x1B8E;
	s24 =	sld [smem:$0x3FFE];
	[sflag:s23] =	ssyncadd.s32 $0xFFFFFFFF  }
0xab: {  	s26 =	simm.s32 $execute0_lowered;
	[smem:$0x3FD2] =	sst s25  }
0xac: {  	s6 =	sshll.u32 s26, $0x1;
	_ =	strace $0x80000046;
	[dreg:$0x1] =	wrdreg $0xFFFFFFFF  }
0xad: {  	s28 =	simm.s32 $_size_execute0_lowered;
	s4 =	sadd.s32 s4, s6;
	[dreg:$0x0] =	wrdreg $0x0  }
0xae: {  	s6 =	sshll.u32 s28, $0x1;
	[dreg:$0x2] =	wrdreg s4  }
0xaf: {  	[dreg:$0x3] =	wrdreg s6  }
0xb0: {  	[dreg:$0x4] =	wrdreg $0xC0  }
0xb1: {  	_ =	task [dreg:s8], $0x5FFFF  }
0xb2: {  	[dreg:$0x1] =	wrdreg $0xFFFFFFFF  }
0xb3: {  	[dreg:$0x0] =	wrdreg $0x60  }
0xb4: {  	[dreg:$0x2] =	wrdreg s16  }
0xb5: {  	[dreg:$0x3] =	wrdreg s24  }
0xb6: {  	[dreg:$0x4] =	wrdreg s17  }
0xb7: {  	[dreg:$0x5] =	wrdreg $0x9  }
0xb8: {  	_ =	task.clear_ibuf [dreg:s8], $0x6FFFF;
	_ =	strace $0x90000046  }
0xb9: {  	s29 =	simm.s32 $0x9;
	_ =	strace $0x80000048  }
0xba: {  	_ =	swait.ge [sflag:s29], $0x1  }
0xbb: {  	[sflag:s29] =	ssyncadd.s32 $0xFFFFFFFF  }
0xbc: {  	_ =	strace $0x90000048  }
0xbd: {  	_ =	sfence  }
0xbe: {  	s30 =	sld [smem:$0x0];
	_ =	sdelay $0x2  }
0xbf: {  	s31 =	sshll.u32 s1, $0xD;
	s1 =	sshrl.u32 s1, $0x2  }
0xc0: {  	s3 =	sand.u32 $0x4000, s31;
	s1 =	sadd.s32 s1, s30  }
0xc1: {  	s0 =	sor.u32 s3, s0;
	s1 =	sshll.u32 s1, $0x11  }
0xc2: {  	s0 =	sor.u32 s1, s0  }
0xc3: {  	s0 =	sadd.s32 $0x8F2B, s0  }
0xc4: {  	[sflag:s0] =	ssyncadd.remote.s32 $0x1  }
0xc5: {  	_ =	sfence.sel $0xFFFF  }
0xc6: {  	[dreg:$0x0] =	wrdreg $0xFFFFFFFF;
	(pc) =	sbr.abs _section_cstart, $3  }
0xc7: {  	[dreg:$0x1] =	wrdreg $0xFFFFFFFF  }
0xc8: {  	_ =	task.clear_ibuf [dreg:s8], $0x2FFFF;
	_ =	strace $0x9FFFFFFF  }
0xc9: {  	(tm) =	ssettm $0x7FFFFFFF  }
tec
execute0_lowered:
.L_overlay_start_1:
0x0: {  	(tag) =	ssettag $0x1  }
0x1: {  	s6 =	rddreg [dreg:$0x0]  }
0x2: {  	s1 =	srdreg.scid;
	s7 =	rddreg [dreg:$0x1]  }
0x3: {  	s0 =	stileid.u32;
	s2 =	rddreg [dreg:$0x2];
	s3 =	simm.s32 $0x0  }
0x4: {  	s11 =	simm.s32 $0x3;
	s12 =	simm.s32 $0x80;
	s5 =	sand.u32 $0x1, s1  }
0x5: {  	s13 =	simm.s32 $0x100;
	s25 =	sshll.u32 s0, $0x7;
	s4 =	sshll.u32 s5, $0x6  }
0x6: {  	v4 =	vlaneseq.u32;
	s14 =	simm.s32 $0x180;
	vm0 =	vmmov $0x1;
	vm1 =	vcmask $0x308;
	s15 =	simm.s32 $0x200;
	s8 =	sor.u32 s4, s25  }
0x7: {  	vm2 =	vcmask $0x70C;
	vm3 =	vcmask $0xB10;
	s16 =	simm.s32 $0x280;
	s17 =	simm.s32 $0x300;
	v0 =	vmov s8;
	s9 =	sor.u32 $0x10, s8  }
0x8: {  	vm4 =	vcmask $0xF14;
	s18 =	simm.s32 $0x380;
	s26 =	sor.u32 $0x20, s8;
	s8 =	sor.u32 $0x30, s8;
	v0 =	vmul.u32 $0x1800, v0;
	v1 =	vmov s9  }
0x9: {  	s19 =	simm.s32 $0x1;
	s20 =	simm.s32 $0x2;
	s1 =	rddreg [dreg:$0x3];
	v2 =	vmov s26;
	v3 =	vmov s8;
	v1 =	vmul.u32 $0x1800, v1  }
0xa: {  	vm5 =	vcmask $0x1318;
	[smem:$0x7FF] =	sst s3;
	s10 =	sshll.u32 s0, $0xA;
	s29 =	ssub.s32 $0x2, s5;
	v2 =	vmul.u32 $0x1800, v2;
	v3 =	vmul.u32 $0x1800, v3  }
0xb: {  	v4 =	vmul.u32 $0x1800, v4;
	_ =	strace $0x80000047;
	s28 =	sor.u32 s4, s10;
	s30 =	sshrl.u32 s29, $0x1;
	v0 =	vbroadcast v0, $0x0;
	v1 =	vbroadcast v1, $0x0  }
0xc: {  	vm6 =	vcmask $0x171C;
	s5 =	sadd.s32 $0x1600, s7;
	s31 =	ssub.s32 s29, s30;
	s8 =	sshrl.u32 s28, $0x3;
	v2 =	vbroadcast v2, $0x0;
	v3 =	vbroadcast v3, $0x0  }
0xd: {  	vm7 =	vcmask $0x1B20;
	s4 =	sadd.s32 $0x181600, s7;
	s10 =	smax.u32 s31, $0x1;
	s6 =	sadd.s32 s6, s8;
	v0 =	vor.u32 v4, v0;
	v1 =	vadd.s32 v4, v1  }
0xe: {  	s7 =	sadd.s32 $0x10, s6;
	s8 =	sadd.s32 $0x20, s6;
	s9 =	sadd.s32 $0x30, s6;
	v2 =	vadd.s32 v4, v2;
	v3 =	vadd.s32 v4, v3;
	v4 =	vimm.f32 $1.000000000e+00  }
.LBB2_1:
0xf: {  	[tilespmem:s3], [sflag:$0x3] =	stream.linear.gather [hbm4b:s6+s3], $0x40, $0x38;
	[tilespmem:$0x400] =	vst v63  }
0x10: {  	_ =	swait.ge [sflag:s11], $0x40  }
0x11: {  	[sflag:s11] =	ssyncset.done $0x0  }
0x12: {  	[sflag:s11] =	ssyncadd.s32 $0xFFFFFFC0  }
0x13: {  	[tilespmem:s12], [sflag:$0x3] =	stream.linear.gather [hbm4b:s7+s3], $0x40, $0x38;
	[tilespmem:$0x400] =	vst v63  }
0x14: {  	_ =	swait.ge [sflag:s11], $0x40  }
0x15: {  	[sflag:s11] =	ssyncset.done $0x0  }
0x16: {  	[sflag:s11] =	ssyncadd.s32 $0xFFFFFFC0  }
0x17: {  	[tilespmem:s13], [sflag:$0x3] =	stream.linear.gather [hbm4b:s8+s3], $0x40, $0x38;
	[tilespmem:$0x400] =	vst v63  }
0x18: {  	_ =	swait.ge [sflag:s11], $0x40  }
0x19: {  	[sflag:s11] =	ssyncset.done $0x0  }
0x1a: {  	[sflag:s11] =	ssyncadd.s32 $0xFFFFFFC0  }
0x1b: {  	[tilespmem:s14], [sflag:$0x3] =	stream.linear.gather [hbm4b:s9+s3], $0x40, $0x38;
	[tilespmem:$0x400] =	vst v63  }
0x1c: {  	_ =	swait.ge [sflag:s11], $0x40  }
0x1d: {  	[sflag:s11] =	ssyncset.done $0x0  }
0x1e: {  	[sflag:s11] =	ssyncadd.s32 $0xFFFFFFC0  }
0x1f: {  	[tilespmem:s15], [sflag:$0x3] =	stream.linear.gather [hbm4b:s4+s3], $0x80, $0x38;
	[tilespmem:$0x400] =	vst v63  }
0x20: {  	_ =	swait.ge [sflag:s11], $0x80  }
0x21: {  	[sflag:s11] =	ssyncset.done $0x0  }
0x22: {  	[sflag:s11] =	ssyncadd.s32 $0xFFFFFF80  }
0x23: {  	v5 =	vld [tilespmem:$0x200];
	_ =	sdelay $0x4  }
0x24: {  	v6 =	vnsel vm0, $0x0, v5  }
0x25: {  	(xrf2) =	vadd.scan.msk.f32 $0xffff, v6  }
0x26: {  	v6 =	vsel vm1, $0x0, v5  }
0x27: {  	(xrf2) =	vadd.scan.msk.f32 $0xffff, v6  }
0x28: {  	v6 =	vsel vm2, $0x0, v5  }
0x29: {  	(xrf2) =	vadd.scan.msk.f32 $0xffff, v6  }
0x2a: {  	v6 =	vsel vm3, $0x0, v5  }
0x2b: {  	(xrf2) =	vadd.scan.msk.f32 $0xffff, v6  }
0x2c: {  	v6 =	vsel vm4, $0x0, v5  }
0x2d: {  	(xrf2) =	vadd.scan.msk.f32 $0xffff, v6  }
0x2e: {  	v7 =	vld [tilespmem:$0x80];
	v6 =	vsel vm5, $0x0, v5  }
0x2f: {  	v8, _, _ =	vpop (xrf2);
	(xrf2) =	vadd.scan.msk.f32 $0xffff, v6;
	v6 =	vsel vm6, $0x0, v5  }
0x30: {  	(xrf2) =	vadd.scan.msk.f32 $0xffff, v6;
	v6 =	vadd.f32 $0.0e+00, v8  }
0x31: {  	v25, _, _ =	vpop (xrf2)  }
0x32: {  	v5 =	vsel vm7, $0x0, v5;
	v8 =	vbroadcast v25, $0xF;
	v6 =	vbroadcast v6, $0xF  }
0x33: {  	vm8 =	veq.f32 v7, $0.0e+00;
	vm9 =	veq.f32 v7, $1.000000000e+00;
	v9, _, _ =	vpop (xrf2);
	(xrf2) =	vadd.scan.msk.f32 $0xffff, v5  }
0x34: {  	v9 =	vbroadcast v9, $0xF;
	v10 =	vnsel vm9, $0x0, v8;
	v5 =	vnsel vm8, $0x0, v6  }
0x35: {  	v11, _, _ =	vpop (xrf2);
	vm8 =	veq.f32 v7, $2.000000000e+00;
	v5 =	vadd.f32 v5, v10  }
0x36: {  	v12 =	vld [tilespmem:$0x0];
	v11 =	vbroadcast v11, $0xF;
	v26 =	vnsel vm8, $0x0, v9  }
0x37: {  	v20 =	vld [tilespmem:$0x10];
	v13, _, _ =	vpop (xrf2);
	vm8 =	veq.f32 v7, $3.000000000e+00;
	v5 =	vadd.f32 v5, v26  }
0x38: {  	v45 =	vld [tilespmem:$0x20];
	v13 =	vbroadcast v13, $0xF;
	v27 =	vnsel vm8, $0x0, v11  }
0x39: {  	v14 =	vld [tilespmem:$0x90];
	vm8 =	veq.f32 v7, $4.000000000e+00;
	v15, _, _ =	vpop (xrf2);
	v5 =	vadd.f32 v5, v27  }
0x3a: {  	v16 =	vnsel vm8, $0x0, v13;
	v15 =	vbroadcast v15, $0xF  }
0x3b: {  	v12 =	vtrunc.f32 v12;
	vm8 =	veq.f32 v7, $5.000000000e+00;
	v28, _, _ =	vpop (xrf2);
	v5 =	vadd.f32 v5, v16  }
0x3c: {  	v37 =	vtrunc.f32 v20;
	v10 =	vbroadcast v28, $0xF;
	v29 =	vnsel vm8, $0x0, v15  }
0x3d: {  	v34 =	vld [tilespmem:$0xA0];
	v51 =	vtrunc.f32 v45;
	v17, _, _ =	vpop (xrf2);
	vm8 =	veq.f32 v7, $6.000000000e+00;
	v5 =	vadd.f32 v5, v29  }
0x3e: {  	v17 =	vbroadcast v17, $0xF;
	v30 =	vnsel vm8, $0x0, v10;
	vm8 =	veq.f32 v14, $0.0e+00  }
0x3f: {  	v41 =	vld [tilespmem:$0xB0];
	v18 =	vnsel vm8, $0x0, v6;
	vm8 =	veq.f32 v14, $1.000000000e+00;
	v5 =	vadd.f32 v5, v30  }
0x40: {  	v31 =	vnsel vm8, $0x0, v8;
	vm8 =	veq.f32 v7, $7.000000000e+00;
	v7 =	vtrunc.f32 v7  }
0x41: {  	v19 =	vnsel vm8, $0x0, v17;
	v16 =	vadd.f32 v31, v18;
	vm8 =	veq.f32 v14, $2.000000000e+00  }
0x42: {  	v52 =	vtrunc.f32 v34;
	v7 =	vcvt.f32.s32 v7;
	v32 =	vnsel vm8, $0x0, v9  }
0x43: {  	v5 =	vadd.f32 v5, v19;
	vm8 =	veq.f32 v14, $3.000000000e+00;
	v16 =	vadd.f32 v16, v32  }
0x44: {  	v60 =	vtrunc.f32 v41;
	v33 =	vnsel vm8, $0x0, v11;
	v7 =	vmul.u32 $0x300, v7  }
0x45: {  	vm8 =	veq.f32 v14, $4.000000000e+00;
	v5 =	vtrunc.f32 v5;
	v16 =	vadd.f32 v16, v33  }
0x46: {  	v12 =	vcvt.f32.s32 v12;
	v35 =	vnsel vm8, $0x0, v13;
	v5 =	vcvt.f32.s32 v5  }
0x47: {  	vm8 =	veq.f32 v14, $5.000000000e+00;
	v7 =	vadd.s32 v0, v7;
	v16 =	vadd.f32 v16, v35  }
0x48: {  	v5 =	vadd.s32 v5, v7;
	v7 =	vnsel vm8, $0x0, v15;
	vm8 =	veq.f32 v14, $6.000000000e+00  }
0x49: {  	v55 =	vcvt.f32.s32 v51;
	v36 =	vnsel vm8, $0x0, v10;
	vm8 =	veq.f32 v34, $0.0e+00  }
0x4a: {  	v7 =	vadd.f32 v16, v7;
	v38 =	vnsel vm8, $0x0, v6;
	vm8 =	veq.f32 v34, $1.000000000e+00  }
0x4b: {  	v56 =	vcvt.f32.s32 v52;
	v39 =	vnsel vm8, $0x0, v8;
	vm8 =	veq.f32 v14, $7.000000000e+00  }
0x4c: {  	v14 =	vtrunc.f32 v14;
	v7 =	vadd.f32 v7, v36;
	v21 =	vnsel vm8, $0x0, v17  }
0x4d: {  	v16 =	vadd.f32 v39, v38;
	vm8 =	veq.f32 v34, $2.000000000e+00;
	v14 =	vcvt.f32.s32 v14  }
0x4e: {  	v40 =	vnsel vm8, $0x0, v9;
	vm8 =	veq.f32 v34, $3.000000000e+00;
	v7 =	vadd.f32 v7, v21  }
0x4f: {  	[tilespmem:$0x300] =	vst v4;
	v16 =	vadd.f32 v16, v40;
	v42 =	vnsel vm8, $0x0, v11;
	vm8 =	veq.f32 v34, $4.000000000e+00  }
0x50: {  	[tilespmem:$0x340] =	vst v4;
	v14 =	vmul.u32 $0x300, v14;
	v43 =	vnsel vm8, $0x0, v13;
	vm8 =	veq.f32 v34, $5.000000000e+00  }
0x51: {  	[tilespmem:$0x310] =	vst v4;
	v16 =	vadd.f32 v16, v42;
	v44 =	vnsel vm8, $0x0, v15;
	vm8 =	veq.f32 v41, $0.0e+00  }
0x52: {  	v22 =	vld [tilespmem:$0x100];
	[tilespmem:$0x350] =	vst v4;
	v7 =	vtrunc.f32 v7;
	v6 =	vnsel vm8, $0x0, v6;
	vm8 =	veq.f32 v41, $1.000000000e+00  }
0x53: {  	[tilespmem:$0x320] =	vst v4;
	v16 =	vadd.f32 v16, v43;
	v8 =	vnsel vm8, $0x0, v8;
	vm8 =	veq.f32 v34, $6.000000000e+00  }
0x54: {  	v46 =	vld [tilespmem:$0x180];
	[tilespmem:$0x360] =	vst v4;
	v48 =	vnsel vm8, $0x0, v10;
	v6 =	vadd.f32 v8, v6;
	vm8 =	veq.f32 v41, $2.000000000e+00  }
0x55: {  	v53 =	vld [tilespmem:$0x110];
	[tilespmem:$0x330] =	vst v4;
	v16 =	vadd.f32 v16, v44;
	v9 =	vnsel vm8, $0x0, v9;
	vm8 =	veq.f32 v34, $7.000000000e+00  }
0x56: {  	v54 =	vld [tilespmem:$0x190];
	[tilespmem:$0x370] =	vst v4;
	v50 =	vnsel vm8, $0x0, v17;
	v6 =	vadd.f32 v6, v9;
	vm8 =	veq.f32 v41, $3.000000000e+00  }
0x57: {  	v58 =	vld [tilespmem:$0x120];
	[tilespmem:$0x380] =	vst v22;
	v14 =	vadd.s32 v1, v14;
	v7 =	vcvt.f32.s32 v7;
	v11 =	vnsel vm8, $0x0, v11  }
0x58: {  	v59 =	vld [tilespmem:$0x1A0];
	[tilespmem:$0x2C0] =	vst v5;
	v5 =	vadd.f32 v16, v48;
	vm8 =	veq.f32 v41, $4.000000000e+00;
	v6 =	vadd.f32 v6, v11  }
0x59: {  	v62 =	vld [tilespmem:$0x130];
	[tilespmem:$0x3C0] =	vst v46;
	v12 =	vmul.u32 $0x300, v12;
	v7 =	vadd.s32 v7, v14;
	v13 =	vnsel vm8, $0x0, v13  }
0x5a: {  	[tilespmem:$0x2D0] =	vst v7;
	v7 =	vld [tilespmem:$0x30];
	vm8 =	veq.f32 v41, $5.000000000e+00;
	v5 =	vadd.f32 v5, v50;
	v6 =	vadd.f32 v6, v13  }
0x5b: {  	[tilespmem:$0x390] =	vst v53;
	v18 =	vcvt.f32.s32 v37;
	v9 =	vmul.u32 $0x300, v56;
	v57 =	vnsel vm8, $0x0, v15  }
0x5c: {  	v63 =	vld [tilespmem:$0x1B0];
	[tilespmem:$0x3D0] =	vst v54;
	vm8 =	veq.f32 v41, $6.000000000e+00;
	v5 =	vtrunc.f32 v5;
	v6 =	vadd.f32 v6, v57  }
0x5d: {  	[tilespmem:$0x3A0] =	vst v58;
	v47 =	vmul.u32 $0x300, v18;
	v10 =	vnsel vm8, $0x0, v10;
	v5 =	vcvt.f32.s32 v5  }
0x5e: {  	[tilespmem:$0x3E0] =	vst v59;
	v9 =	vadd.s32 v2, v9;
	vm8 =	veq.f32 v41, $7.000000000e+00;
	v6 =	vadd.f32 v6, v10  }
0x5f: {  	[tilespmem:$0x3B0] =	vst v62;
	v7 =	vtrunc.f32 v7;
	v61 =	vnsel vm8, $0x0, v17;
	v5 =	vadd.s32 v5, v9  }
0x60: {  	[tilespmem:$0x2E0] =	vst v5;
	v5 =	vcvt.f32.s32 v7;
	v7 =	vcvt.f32.s32 v60;
	v6 =	vadd.f32 v6, v61  }
0x61: {  	[tilespmem:$0x3F0] =	vst v63;
	v12 =	vadd.s32 v0, v12;
	v49 =	vadd.s32 v1, v47;
	v8 =	vmul.u32 $0x300, v55  }
0x62: {  	[tilespmem:$0x280] =	vst v12;
	v5 =	vmul.u32 $0x300, v5;
	v7 =	vmul.u32 $0x300, v7;
	v6 =	vtrunc.f32 v6  }
0x63: {  	[tilespmem:$0x290] =	vst v49;
	v8 =	vadd.s32 v2, v8;
	v6 =	vcvt.f32.s32 v6  }
0x64: {  	[tilespmem:$0x2A0] =	vst v8;
	v5 =	vadd.s32 v3, v5;
	v7 =	vadd.s32 v3, v7  }
0x65: {  	[tilespmem:$0x2B0] =	vst v5;
	v5 =	vadd.s32 v6, v7  }
0x66: {  	[tilespmem:$0x2F0] =	vst v5  }
0x67: {  	[hbm4b:s2+s12] =	stream.indirect.scatter [tilespmem:s17], [sflag:$0x1], $0x1, s16, s12, $0xb8;
	[tilespmem:$0x400] =	vst v63  }
0x68: {  	_ = 	snop  }
0x69: {  	[hbm4b:s5+s12] =	stream.indirect.scatter [tilespmem:s18], [sflag:$0x2], $0x1, s16, s12, $0xb8;
	[tilespmem:$0x400] =	vst v63  }
0x6a: {  	p0 =	sne.s32 s10, $0x1;
	_ =	swait.ge [sflag:s19], $0x80  }
.Ltmp0:
0x6b: {  	[sflag:s19] =	ssyncset.done $0x0;
	(pc) =	sbr.rel @p0 .LBB2_1-.Ltmp0, $4  }
0x6c: {  	[sflag:s19] =	ssyncadd.s32 $0xFFFFFF80  }
0x6d: {  	_ =	swait.ge [sflag:s20], $0x80  }
0x6e: {  	[sflag:s20] =	ssyncset.done $0x0  }
0x6f: {  	s10 =	sadd.s32 $0xFFFFFFFF, s10;
	[sflag:s20] =	ssyncadd.s32 $0xFFFFFF80  }
0x70: {  	_ =	sfence.sel $0x180000  }
0x71: {  	[bflag:$0x0] =	sbarrier.arrive $0xFFFF  }
0x72: {  	p0 =	sne.s32 s0, $0x0;
	_ =	strace $0x90000047  }
0x73: {  	s0 =	sadd.s32 @!p0 $0x100000, s1;
	[bflag:$0x2] =	sbarrier.arrive $0xFFFF  }
0x74: {  	[sflag:s0] =	ssyncadd.tile.s32 @!p0 $0x1;
	_ =	shalt  }
.Lfunc_end2:
_tile_overlayer_lowered:
.L_overlay_start_2:
0x75: {  	(tag) =	ssettag $0x2  }
0x76: {  	s0 =	rddreg [dreg:$0x0];
	s2 =	stileid.u32  }
0x77: {  	s1 =	rddreg [dreg:$0x1];
	p0 =	sne.s32 s2, $0x0  }
0x78: {  	s3 =	rddreg [dreg:$0x2];
	[bflag:$0x3] =	sbarrier.arrive $0xFFFF;
	s2 =	simm.s32 @!p0 $0x1C03  }
0x79: {  	[timem:s3], [sflag:s2] =	dma.local @!p0 [hbm:s0], s1  }
0x7a: {  	s0 =	simm.s32 @!p0 $0x3  }
0x7b: {  	_ =	swait.ge @!p0 [sflag:s0], s1  }
0x7c: {  	s1 =	ssub.s32 @!p0 $0x0, s1;
	[sflag:s0] =	ssyncset.done @!p0 $0x0  }
0x7d: {  	[sflag:s0] =	ssyncadd.s32 @!p0 s1  }
0x7e: {  	[bflag:$0x3] =	sbarrier.arrive $0xFFFF  }
0x7f: {  	_ =	shalt  }

</sc_bundles>
